<compile_context>
chip_gen: v7x
topology: tpu7x:2x2x1
jax: 0.10.2.dev20260603
libtpu: 0.0.44.dev20260713+nightly
codegen_flags: <defaults>
</compile_context>

<pallas_src>
import functools

import jax
import jax.numpy as jnp
from jax import lax
from jax.experimental import pallas as pl
from jax.experimental.pallas import tpu as pltpu
from jax.experimental.pallas import tpu_sc as plsc

NC = 2
NS = 16
LANES = 16
CHUNK = 128


def _sc_accumulate(xs, edata, zrow_a, zrow_b, *, n_rows, w, ws, nchunks):
    rpt = n_rows // NS

    mesh = plsc.VectorSubcoreMesh(
        core_axis_name="c", subcore_axis_name="s",
        num_cores=NC, num_subcores=NS)

    @functools.partial(
        pl.kernel,
        out_type=(jax.ShapeDtypeStruct((NC * n_rows, w), jnp.float32),
                  jax.ShapeDtypeStruct((NC * n_rows, ws), jnp.float32)),
        mesh=mesh,
        scratch_types=[
            pltpu.VMEM((4, CHUNK), jnp.int32),
            pltpu.VMEM((4, CHUNK), jnp.int32),
            pltpu.VMEM((4, CHUNK), jnp.int32),
            pltpu.VMEM((4, CHUNK), jnp.int32),
            pltpu.VMEM((CHUNK, w), jnp.float32),
            pltpu.VMEM((CHUNK, w), jnp.float32),
            pltpu.VMEM((CHUNK, ws), jnp.float32),
            pltpu.VMEM((CHUNK, ws), jnp.float32),
            pltpu.VMEM_SHARED((n_rows, w), jnp.float32),
            pltpu.VMEM_SHARED((n_rows, ws), jnp.float32),
            pltpu.SemaphoreType.DMA,
            pltpu.SemaphoreType.DMA,
            pltpu.SemaphoreType.DMA,
            pltpu.SemaphoreType.DMA,
            pltpu.SemaphoreType.DMA,
            pltpu.SemaphoreType.DMA,
            pltpu.SemaphoreType.DMA,
            pltpu.SemaphoreType.DMA,
            pltpu.SemaphoreType.DMA,
            pltpu.SemaphoreType.DMA,
        ],
        compiler_params=pltpu.CompilerParams(use_tc_tiling_on_sc=False,
                                             needs_layout_passes=False),
    )
    def body(xs_hbm, edata_hbm, zrow_a_hbm, zrow_b_hbm, sall_hbm, s1_hbm,
             ed0, ed1, ed2, ed3, rows0, rows1, srows0, srows1,
             acc_all, acc_s1,
             sem_e0, sem_e1, sem_e2, sem_e3,
             sem_g0, sem_g1, sem_a0, sem_a1, sem_b0, sem_b1):
        c = lax.axis_index("c")
        s = lax.axis_index("s")
        eds = (ed0, ed1, ed2, ed3)
        sem_e = (sem_e0, sem_e1, sem_e2, sem_e3)
        rows = (rows0, rows1)
        srows = (srows0, srows1)
        sem_g = (sem_g0, sem_g1)
        sem_a = (sem_a0, sem_a1)
        sem_b = (sem_b0, sem_b1)

        pltpu.sync_copy(zrow_a_hbm, acc_all.at[pl.ds(s * rpt, rpt)])
        pltpu.sync_copy(zrow_b_hbm, acc_s1.at[pl.ds(s * rpt, rpt)])
        pltpu.sync_copy(edata_hbm.at[c, s, 0], ed0)
        pltpu.async_copy(edata_hbm.at[c, s, 1], ed1, sem_e1)
        plsc.subcore_barrier()

        def gather(islot, sl):
            return pltpu.async_copy(xs_hbm.at[eds[islot].at[0]], rows[sl],
                                    sem_g[sl])

        def scale(islot, sl):
            def ebody(e, cc):
                vs = plsc.bitcast(eds[islot][2, pl.ds(e, LANES)],
                                  jnp.float32)[0]
                for j in range(ws // LANES):
                    csl = pl.ds(j * LANES, LANES)
                    srows[sl][e, csl] = rows[sl][e, csl] * vs
                return cc
            lax.fori_loop(0, CHUNK, ebody, 0)

        gather(0, 0)

        def step(i, j):
            sl = j % 2
            @pl.when(i + 1 < nchunks)
            def _():
                @pl.when(i >= 1)
                def _():
                    pltpu.make_async_copy(
                        rows[1 - sl], acc_all.at[pl.ds(0, CHUNK)],
                        sem_a[1 - sl]).wait()
                pltpu.make_async_copy(
                    edata_hbm.at[c, s, 0], eds[(j + 1) % 4],
                    sem_e[(j + 1) % 4]).wait()
                gather((j + 1) % 4, 1 - sl)
            pltpu.make_async_copy(xs_hbm.at[eds[j].at[0]], rows[sl],
                                  sem_g[sl]).wait()
            pltpu.async_copy(rows[sl], acc_all.at[eds[j].at[1]],
                             sem_a[sl], add=True)
            @pl.when(i >= 2)
            def _():
                pltpu.make_async_copy(
                    srows[sl], acc_s1.at[pl.ds(0, CHUNK)], sem_b[sl]).wait()
            @pl.when(i + 2 < nchunks)
            def _():
                pltpu.async_copy(edata_hbm.at[c, s, i + 2],
                                 eds[(j + 2) % 4], sem_e[(j + 2) % 4])
            scale(j, sl)
            pltpu.async_copy(srows[sl], acc_s1.at[eds[j].at[1]],
                             sem_b[sl], add=True)

        def quad(k, carry):
            for j in range(4):
                step(4 * k + j, j)
            return carry

        lax.fori_loop(0, nchunks // 4, quad, 0)

        pltpu.make_async_copy(rows0, acc_all.at[pl.ds(0, CHUNK)],
                              sem_a0).wait()
        pltpu.make_async_copy(rows1, acc_all.at[pl.ds(0, CHUNK)],
                              sem_a1).wait()
        pltpu.make_async_copy(srows0, acc_s1.at[pl.ds(0, CHUNK)],
                              sem_b0).wait()
        pltpu.make_async_copy(srows1, acc_s1.at[pl.ds(0, CHUNK)],
                              sem_b1).wait()
        plsc.subcore_barrier()

        ob = c * n_rows + s * rpt
        pltpu.sync_copy(acc_all.at[pl.ds(s * rpt, rpt)],
                        sall_hbm.at[pl.ds(ob, rpt)])
        pltpu.sync_copy(acc_s1.at[pl.ds(s * rpt, rpt)],
                        s1_hbm.at[pl.ds(ob, rpt)])

    return body(xs, edata, zrow_a, zrow_b)


def kernel(x, edge_index, edge_attr, weight, root, bias):
    n, d = x.shape
    e = edge_index.shape[1]
    h = d // 2
    w = 80

    blk = 632
    n_rows = ((n + 1 + blk - 1) // blk) * blk
    nblocks = n_rows // blk

    ept = -(-e // (NS * CHUNK * 4)) * (CHUNK * 4)
    e_pad = ept * NS
    pad = e_pad - e

    nchunks = ept // CHUNK
    src = edge_index[0].astype(jnp.int32)
    dst = edge_index[1].astype(jnp.int32)
    val = edge_attr[:, 0].astype(jnp.float32)
    src_p = jnp.pad(src, (0, pad))
    dst_p = jnp.pad(dst, (0, pad), constant_values=n)
    v_p = jnp.pad(val, (0, pad))
    vbits = lax.bitcast_convert_type(v_p, jnp.int32)
    zero_row = jnp.zeros_like(src_p)

    def _plane(a):
        return a.reshape(NS, nchunks, 1, CHUNK)

    edata = jnp.stack([
        jnp.concatenate([_plane(src_p + cc * n), _plane(dst_p),
                         _plane(vbits), _plane(zero_row)], axis=2)
        for cc in range(NC)])
    xs0 = jnp.concatenate([x[:, :h], jnp.zeros((n, w - h), x.dtype)], axis=1)
    xs1 = jnp.concatenate([x[:, h:], jnp.ones((n, 1), x.dtype),
                           jnp.zeros((n, w - h - 1), x.dtype)], axis=1)
    xs = jnp.concatenate([xs0, xs1], axis=0)
    zrow_a = jnp.zeros((n_rows // NS, w), jnp.float32)
    zrow_b = jnp.zeros((n_rows // NS, h), jnp.float32)

    sall, s1 = _sc_accumulate(xs, edata, zrow_a, zrow_b,
                              n_rows=n_rows, w=w, ws=h, nchunks=nchunks)

    def tc_body(sa0, sa1, sb0, sb1, xr, wr, rr, br, outr):
        sall_b = jnp.concatenate([sa0[:, :h], sa1[:, :h]], axis=1)
        s1_b = jnp.concatenate([sb0[...], sb1[...]], axis=1)
        cnt = sa1[:, h:h + 1]
        w0 = wr[0]
        w10 = wr[1] - wr[0]
        pre = (jnp.dot(sall_b, w0, preferred_element_type=jnp.float32)
               + jnp.dot(s1_b, w10, preferred_element_type=jnp.float32))
        agg = pre / jnp.maximum(cnt, 1.0)
        y = (agg + jnp.dot(xr[...], rr[...],
                           preferred_element_type=jnp.float32) + br[...])
        outr[...] = jnp.maximum(y, 0.0)

    x_pad = jnp.concatenate(
        [x, jnp.zeros((n_rows - n, d), x.dtype)], axis=0)
    y = pl.pallas_call(
        tc_body,
        grid=(nblocks,),
        in_specs=[
            pl.BlockSpec((blk, w), lambda i: (i, 0)),
            pl.BlockSpec((blk, w), lambda i: (i + nblocks, 0)),
            pl.BlockSpec((blk, h), lambda i: (i, 0)),
            pl.BlockSpec((blk, h), lambda i: (i + nblocks, 0)),
            pl.BlockSpec((blk, d), lambda i: (i, 0)),
            pl.BlockSpec((2, d, d), lambda i: (0, 0, 0)),
            pl.BlockSpec((d, d), lambda i: (0, 0)),
            pl.BlockSpec((1, d), lambda i: (0, 0)),
        ],
        out_specs=pl.BlockSpec((blk, d), lambda i: (i, 0)),
        out_shape=jax.ShapeDtypeStruct((n_rows, d), jnp.float32),
    )(sall, sall, s1, s1, x_pad, weight, root, bias.reshape(1, d))
    return y[:n]

# --- scband reference (transcript-rebuilt; emitter-appended) ---
"""Pipeline reference for scband-splineconv-model-36988258353249 (READ-ONLY COPY).

The authoritative reference and input builder live on the scoring server;
editing this copy changes nothing except your own understanding.
"""

import jax, jax.numpy as jnp
import numpy as np

N_NODES = 10000
N_EDGES = 320000
D_IN = 128
D_OUT = 128
KERNEL_SIZE = 2


def setup_inputs(seed: int = 0) -> dict:
    key = jax.random.key(seed)
    k1, k2, k3, k4, k5, k6 = jax.random.split(key, 6)
    x = jax.random.normal(k1, (N_NODES, D_IN), dtype=jnp.float32)
    edge_index = jax.random.randint(k2, (2, N_EDGES), 0, N_NODES, dtype=jnp.int64)
    edge_attr = jax.random.uniform(k3, (N_EDGES, 1), dtype=jnp.float32)
    # SplineConv parameters: spline weight [K, in, out], root weight [in, out], bias [out]
    scale_w = 1.0 / np.sqrt(D_IN * KERNEL_SIZE)
    weight = jax.random.uniform(k4, (KERNEL_SIZE, D_IN, D_OUT), dtype=jnp.float32, minval=-scale_w, maxval=scale_w)
    scale_r = 1.0 / np.sqrt(D_IN)
    root = jax.random.uniform(k5, (D_IN, D_OUT), dtype=jnp.float32, minval=-scale_r, maxval=scale_r)
    bias = jax.random.uniform(k6, (D_OUT,), dtype=jnp.float32, minval=-scale_r, maxval=scale_r)
    return {"x": x, "edge_index": edge_index, "edge_attr": edge_attr,
            "weight": weight, "root": root, "bias": bias}


def reference(x, edge_index, edge_attr, weight, root, bias):
    # SplineConv (dim=1, kernel_size=2, degree=1, open spline):
    # pseudo u in [0,1); v = u * (kernel_size - 1) = u; basis (1 - v) at knot 0, v at knot 1
    src = edge_index[0]
    dst = edge_index[1]
    v = edge_attr[:, 0]
    b0 = 1.0 - v
    b1 = v
    xj = jnp.take(x, src, axis=0)  # gather source node features [E, D_IN]
    m = b0[:, None] * (xj @ weight[0]) + b1[:, None] * (xj @ weight[1])  # [E, D_OUT]
    n = x.shape[0]
    agg = jax.ops.segment_sum(m, dst, num_segments=n)
    cnt = jax.ops.segment_sum(jnp.ones((m.shape[0],), dtype=jnp.float32), dst, num_segments=n)
    agg = agg / jnp.clip(cnt, 1.0)[:, None]  # mean aggregation (PyG default for SplineConv)
    out = agg + x @ root + bias
    # dropout is identity in eval mode
    out = jax.nn.relu(out)
    return out

if __name__ == "__main__":
    import jax
    _d = setup_inputs()
    print(jax.jit(kernel)(*tuple(_d.values())))

</pallas_src>

<mosaic_0001>
#map = affine_map<(d0, d1) -> (0, 0)>
#map1 = affine_map<(d0, d1) -> (0, 0, 0, 0, 0)>
module attributes {stable_mosaic.version = 14 : i64} {
  func.func @body(%arg0: i32, %arg1: i32, %arg2: memref<20000x80xf32, #tpu.memory_space<hbm>>, %arg3: memref<2x16x160x4x128xi32, #tpu.memory_space<hbm>>, %arg4: memref<632x80xf32, #tpu.memory_space<hbm>>, %arg5: memref<632x64xf32, #tpu.memory_space<hbm>>, %arg6: memref<20224x80xf32, #tpu.memory_space<hbm>>, %arg7: memref<20224x64xf32, #tpu.memory_space<hbm>>, %arg8: memref<4x128xi32, #tpu.memory_space<vmem>>, %arg9: memref<4x128xi32, #tpu.memory_space<vmem>>, %arg10: memref<4x128xi32, #tpu.memory_space<vmem>>, %arg11: memref<4x128xi32, #tpu.memory_space<vmem>>, %arg12: memref<128x80xf32, #tpu.memory_space<vmem>>, %arg13: memref<128x80xf32, #tpu.memory_space<vmem>>, %arg14: memref<128x64xf32, #tpu.memory_space<vmem>>, %arg15: memref<128x64xf32, #tpu.memory_space<vmem>>, %arg16: memref<10112x80xf32, #tpu.memory_space<vmem_shared>>, %arg17: memref<10112x64xf32, #tpu.memory_space<vmem_shared>>, %arg18: memref<!tpu.dma_semaphore, #tpu.memory_space<semaphore_mem>>, %arg19: memref<!tpu.dma_semaphore, #tpu.memory_space<semaphore_mem>>, %arg20: memref<!tpu.dma_semaphore, #tpu.memory_space<semaphore_mem>>, %arg21: memref<!tpu.dma_semaphore, #tpu.memory_space<semaphore_mem>>, %arg22: memref<!tpu.dma_semaphore, #tpu.memory_space<semaphore_mem>>, %arg23: memref<!tpu.dma_semaphore, #tpu.memory_space<semaphore_mem>>, %arg24: memref<!tpu.dma_semaphore, #tpu.memory_space<semaphore_mem>>, %arg25: memref<!tpu.dma_semaphore, #tpu.memory_space<semaphore_mem>>, %arg26: memref<!tpu.dma_semaphore, #tpu.memory_space<semaphore_mem>>, %arg27: memref<!tpu.dma_semaphore, #tpu.memory_space<semaphore_mem>>) attributes {dimension_semantics = [#tpu.dimension_semantics<core_parallel>, #tpu.dimension_semantics<subcore_parallel>], iteration_bounds = array<i64: 2, 16>, scalar_prefetch = 0 : i64, scratch_operands = 20 : i64, tpu.core_type = #tpu.core_type<sc_vector_subcore>, window_params = [{transform_indices = #map}, {transform_indices = #map1}, {transform_indices = #map}, {transform_indices = #map}, {transform_indices = #map}, {transform_indices = #map}]} {
    %mul3A = arith.constant 632 : i32
    %mul3A_0 = arith.muli %arg1, %mul3A : i32
    "tpu.region"() ({
      %run_scoped3A_55 = tpu.sem_alloc : memref<!tpu.dma_semaphore, #tpu.memory_space<semaphore_mem>>
      %dma_start3A_56 = arith.constant 0 : i32
      %dma_start3A_57 = tpu.memref_slice %arg16[%mul3A_0, %dma_start3A_56] : memref<10112x80xf32, #tpu.memory_space<vmem_shared>> -> memref<632x80xf32, #tpu.memory_space<vmem_shared>>
      tpu.enqueue_dma source(%arg4 : memref<632x80xf32, #tpu.memory_space<hbm>>) target(%dma_start3A_57 : memref<632x80xf32, #tpu.memory_space<vmem_shared>>) target_semaphore(%run_scoped3A_55 : memref<!tpu.dma_semaphore, #tpu.memory_space<semaphore_mem>>)
      %dma_wait3A_58 = arith.constant 0 : i32
      %dma_wait3A_59 = tpu.memref_slice %arg16[%mul3A_0, %dma_wait3A_58] : memref<10112x80xf32, #tpu.memory_space<vmem_shared>> -> memref<632x80xf32, #tpu.memory_space<vmem_shared>>
      tpu.wait_dma2 semaphore(%run_scoped3A_55 : memref<!tpu.dma_semaphore, #tpu.memory_space<semaphore_mem>>) src(%arg4 : memref<632x80xf32, #tpu.memory_space<hbm>>) dst(%dma_wait3A_59 : memref<632x80xf32, #tpu.memory_space<vmem_shared>>)
      tpu.yield
    }) : () -> ()
    %mul3A_1 = arith.constant 632 : i32
    %mul3A_2 = arith.muli %arg1, %mul3A_1 : i32
    "tpu.region"() ({
      %run_scoped3A_55 = tpu.sem_alloc : memref<!tpu.dma_semaphore, #tpu.memory_space<semaphore_mem>>
      %dma_start3A_56 = arith.constant 0 : i32
      %dma_start3A_57 = tpu.memref_slice %arg17[%mul3A_2, %dma_start3A_56] : memref<10112x64xf32, #tpu.memory_space<vmem_shared>> -> memref<632x64xf32, #tpu.memory_space<vmem_shared>>
      tpu.enqueue_dma source(%arg5 : memref<632x64xf32, #tpu.memory_space<hbm>>) target(%dma_start3A_57 : memref<632x64xf32, #tpu.memory_space<vmem_shared>>) target_semaphore(%run_scoped3A_55 : memref<!tpu.dma_semaphore, #tpu.memory_space<semaphore_mem>>)
      %dma_wait3A_58 = arith.constant 0 : i32
      %dma_wait3A_59 = tpu.memref_slice %arg17[%mul3A_2, %dma_wait3A_58] : memref<10112x64xf32, #tpu.memory_space<vmem_shared>> -> memref<632x64xf32, #tpu.memory_space<vmem_shared>>
      tpu.wait_dma2 semaphore(%run_scoped3A_55 : memref<!tpu.dma_semaphore, #tpu.memory_space<semaphore_mem>>) src(%arg5 : memref<632x64xf32, #tpu.memory_space<hbm>>) dst(%dma_wait3A_59 : memref<632x64xf32, #tpu.memory_space<vmem_shared>>)
      tpu.yield
    }) : () -> ()
    %run_scoped3A = arith.constant 0 : i32
    "tpu.region"() ({
      %run_scoped3A_55 = tpu.sem_alloc : memref<!tpu.dma_semaphore, #tpu.memory_space<semaphore_mem>>
      %dma_start3A_56 = arith.constant 0 : i32
      %dma_start3A_57 = arith.constant 0 : i32
      %dma_start3A_58 = tpu.memref_slice %arg3[%arg0, %arg1, %run_scoped3A, %dma_start3A_56, %dma_start3A_57] : memref<2x16x160x4x128xi32, #tpu.memory_space<hbm>> -> memref<1x1x1x4x128xi32, #tpu.memory_space<hbm>>
      %dma_start3A_59 = tpu.memref_squeeze %dma_start3A_58 : memref<1x1x1x4x128xi32, #tpu.memory_space<hbm>> -> memref<4x128xi32, #tpu.memory_space<hbm>>
      %dma_start3A_60 = arith.constant 0 : i32
      %dma_start3A_61 = arith.constant 0 : i32
      %dma_start3A_62 = tpu.memref_slice %arg3[%arg0, %arg1, %run_scoped3A, %dma_start3A_60, %dma_start3A_61] : memref<2x16x160x4x128xi32, #tpu.memory_space<hbm>> -> memref<1x1x1x4x128xi32, #tpu.memory_space<hbm>>
      %dma_start3A_63 = tpu.memref_squeeze %dma_start3A_62 : memref<1x1x1x4x128xi32, #tpu.memory_space<hbm>> -> memref<4x128xi32, #tpu.memory_space<hbm>>
      tpu.enqueue_dma source(%dma_start3A_63 : memref<4x128xi32, #tpu.memory_space<hbm>>) target(%arg8 : memref<4x128xi32, #tpu.memory_space<vmem>>) target_semaphore(%run_scoped3A_55 : memref<!tpu.dma_semaphore, #tpu.memory_space<semaphore_mem>>)
      %dma_wait3A_64 = arith.constant 0 : i32
      %dma_wait3A_65 = arith.constant 0 : i32
      %dma_wait3A_66 = tpu.memref_slice %arg3[%arg0, %arg1, %run_scoped3A, %dma_wait3A_64, %dma_wait3A_65] : memref<2x16x160x4x128xi32, #tpu.memory_space<hbm>> -> memref<1x1x1x4x128xi32, #tpu.memory_space<hbm>>
      %dma_wait3A_67 = tpu.memref_squeeze %dma_wait3A_66 : memref<1x1x1x4x128xi32, #tpu.memory_space<hbm>> -> memref<4x128xi32, #tpu.memory_space<hbm>>
      %dma_wait3A_68 = arith.constant 0 : i32
      %dma_wait3A_69 = arith.constant 0 : i32
      %dma_wait3A_70 = tpu.memref_slice %arg3[%arg0, %arg1, %run_scoped3A, %dma_wait3A_68, %dma_wait3A_69] : memref<2x16x160x4x128xi32, #tpu.memory_space<hbm>> -> memref<1x1x1x4x128xi32, #tpu.memory_space<hbm>>
      %dma_wait3A_71 = tpu.memref_squeeze %dma_wait3A_70 : memref<1x1x1x4x128xi32, #tpu.memory_space<hbm>> -> memref<4x128xi32, #tpu.memory_space<hbm>>
      tpu.wait_dma2 semaphore(%run_scoped3A_55 : memref<!tpu.dma_semaphore, #tpu.memory_space<semaphore_mem>>) src(%dma_wait3A_71 : memref<4x128xi32, #tpu.memory_space<hbm>>) dst(%arg8 : memref<4x128xi32, #tpu.memory_space<vmem>>)
      tpu.yield
    }) : () -> ()
    %dma_start3A = arith.constant 1 : i32
    %dma_start3A_3 = arith.constant 0 : i32
    %dma_start3A_4 = arith.constant 0 : i32
    %dma_start3A_5 = tpu.memref_slice %arg3[%arg0, %arg1, %dma_start3A, %dma_start3A_3, %dma_start3A_4] : memref<2x16x160x4x128xi32, #tpu.memory_space<hbm>> -> memref<1x1x1x4x128xi32, #tpu.memory_space<hbm>>
    %dma_start3A_6 = tpu.memref_squeeze %dma_start3A_5 : memref<1x1x1x4x128xi32, #tpu.memory_space<hbm>> -> memref<4x128xi32, #tpu.memory_space<hbm>>
    %dma_start3A_7 = arith.constant 0 : i32
    %dma_start3A_8 = arith.constant 0 : i32
    %dma_start3A_9 = tpu.memref_slice %arg3[%arg0, %arg1, %dma_start3A, %dma_start3A_7, %dma_start3A_8] : memref<2x16x160x4x128xi32, #tpu.memory_space<hbm>> -> memref<1x1x1x4x128xi32, #tpu.memory_space<hbm>>
    %dma_start3A_10 = tpu.memref_squeeze %dma_start3A_9 : memref<1x1x1x4x128xi32, #tpu.memory_space<hbm>> -> memref<4x128xi32, #tpu.memory_space<hbm>>
    tpu.enqueue_dma source(%dma_start3A_10 : memref<4x128xi32, #tpu.memory_space<hbm>>) target(%arg9 : memref<4x128xi32, #tpu.memory_space<vmem>>) target_semaphore(%arg19 : memref<!tpu.dma_semaphore, #tpu.memory_space<semaphore_mem>>)
    %barrier3A = arith.constant 0 : index
    tpu.barrier barrier_id(%barrier3A)
    %dma_start3A_11 = arith.constant 0 : i32
    %dma_start3A_12 = arith.constant 0 : i32
    %dma_start3A_13 = tpu.memref_slice %arg8[%dma_start3A_11, %dma_start3A_12] : memref<4x128xi32, #tpu.memory_space<vmem>> -> memref<1x128xi32, #tpu.memory_space<vmem>>
    %dma_start3A_14 = tpu.memref_squeeze %dma_start3A_13 : memref<1x128xi32, #tpu.memory_space<vmem>> -> memref<128xi32, #tpu.memory_space<vmem>>
    %dma_start3A_15 = arith.constant 0 : i32
    %dma_start3A_16 = arith.constant 0 : i32
    %dma_start3A_17 = tpu.memref_slice %arg2[%dma_start3A_15, %dma_start3A_16] : memref<20000x80xf32, #tpu.memory_space<hbm>> -> memref<20000x80xf32, #tpu.memory_space<hbm>>
    tpu.enqueue_indirect_dma source(%dma_start3A_17 : memref<20000x80xf32, #tpu.memory_space<hbm>>) target(%arg12 : memref<128x80xf32, #tpu.memory_space<vmem>>) offsets(%dma_start3A_14 : memref<128xi32, #tpu.memory_space<vmem>>) semaphore(%arg22 : memref<!tpu.dma_semaphore, #tpu.memory_space<semaphore_mem>>)
    %scan3A = arith.constant 0 : i32
    %scan3A_18 = arith.constant 0 : i32
    %scan3A_19 = arith.constant 40 : i32
    %scan3A_20 = arith.addi %scan3A_18, %scan3A_19 : i32
    %scan3A_21 = arith.constant 1 : i32
    scf.for %scan3A_55 = %scan3A_18 to %scan3A_20 step %scan3A_21  : i32 {
      %mul3A_56 = arith.constant 4 : i32
      %mul3A_57 = arith.muli %mul3A_56, %scan3A_55 : i32
      %add3A_58 = arith.constant 0 : i32
      %add3A_59 = arith.addi %mul3A_57, %add3A_58 : i32
      %add3A_60 = arith.constant 1 : i32
      %add3A_61 = arith.addi %add3A_59, %add3A_60 : i32
      %lt3A = arith.constant 160 : i32
      %lt3A_62 = arith.cmpi slt, %add3A_61, %lt3A : i32
      %convert_element_type3A = arith.extui %lt3A_62 : i1 to i32
      %cond3A = arith.constant 0 : i32
      %cond3A_63 = arith.cmpi ne, %convert_element_type3A, %cond3A : i32
      scf.if %cond3A_63 {
        %ge3A_252 = arith.constant 1 : i32
        %ge3A_253 = arith.cmpi sge, %add3A_59, %ge3A_252 : i32
        %convert_element_type3A_254 = arith.extui %ge3A_253 : i1 to i32
        %cond3A_255 = arith.constant 0 : i32
        %cond3A_256 = arith.cmpi ne, %convert_element_type3A_254, %cond3A_255 : i32
        scf.if %cond3A_256 {
          %dma_wait3A_273 = arith.constant 0 : i32
          %dma_wait3A_274 = arith.constant 0 : i32
          %dma_wait3A_275 = tpu.memref_slice %arg16[%dma_wait3A_273, %dma_wait3A_274] : memref<10112x80xf32, #tpu.memory_space<vmem_shared>> -> memref<128x80xf32, #tpu.memory_space<vmem_shared>>
          %dma_wait3A_276 = arith.constant 0 : i32
          %dma_wait3A_277 = arith.constant 0 : i32
          %dma_wait3A_278 = tpu.memref_slice %arg16[%dma_wait3A_276, %dma_wait3A_277] : memref<10112x80xf32, #tpu.memory_space<vmem_shared>> -> memref<128x80xf32, #tpu.memory_space<vmem_shared>>
          tpu.wait_dma2 semaphore(%arg25 : memref<!tpu.dma_semaphore, #tpu.memory_space<semaphore_mem>>) src(%arg13 : memref<128x80xf32, #tpu.memory_space<vmem>>) dst(%dma_wait3A_278 : memref<128x80xf32, #tpu.memory_space<vmem_shared>>)
        } else {
        }
        %dma_wait3A_257 = arith.constant 0 : i32
        %dma_wait3A_258 = arith.constant 0 : i32
        %dma_wait3A_259 = arith.constant 0 : i32
        %dma_wait3A_260 = tpu.memref_slice %arg3[%arg0, %arg1, %dma_wait3A_257, %dma_wait3A_258, %dma_wait3A_259] : memref<2x16x160x4x128xi32, #tpu.memory_space<hbm>> -> memref<1x1x1x4x128xi32, #tpu.memory_space<hbm>>
        %dma_wait3A_261 = tpu.memref_squeeze %dma_wait3A_260 : memref<1x1x1x4x128xi32, #tpu.memory_space<hbm>> -> memref<4x128xi32, #tpu.memory_space<hbm>>
        %dma_wait3A_262 = arith.constant 0 : i32
        %dma_wait3A_263 = arith.constant 0 : i32
        %dma_wait3A_264 = tpu.memref_slice %arg3[%arg0, %arg1, %dma_wait3A_257, %dma_wait3A_262, %dma_wait3A_263] : memref<2x16x160x4x128xi32, #tpu.memory_space<hbm>> -> memref<1x1x1x4x128xi32, #tpu.memory_space<hbm>>
        %dma_wait3A_265 = tpu.memref_squeeze %dma_wait3A_264 : memref<1x1x1x4x128xi32, #tpu.memory_space<hbm>> -> memref<4x128xi32, #tpu.memory_space<hbm>>
        tpu.wait_dma2 semaphore(%arg19 : memref<!tpu.dma_semaphore, #tpu.memory_space<semaphore_mem>>) src(%dma_wait3A_265 : memref<4x128xi32, #tpu.memory_space<hbm>>) dst(%arg9 : memref<4x128xi32, #tpu.memory_space<vmem>>)
        %dma_start3A_266 = arith.constant 0 : i32
        %dma_start3A_267 = arith.constant 0 : i32
        %dma_start3A_268 = tpu.memref_slice %arg9[%dma_start3A_266, %dma_start3A_267] : memref<4x128xi32, #tpu.memory_space<vmem>> -> memref<1x128xi32, #tpu.memory_space<vmem>>
        %dma_start3A_269 = tpu.memref_squeeze %dma_start3A_268 : memref<1x128xi32, #tpu.memory_space<vmem>> -> memref<128xi32, #tpu.memory_space<vmem>>
        %dma_start3A_270 = arith.constant 0 : i32
        %dma_start3A_271 = arith.constant 0 : i32
        %dma_start3A_272 = tpu.memref_slice %arg2[%dma_start3A_270, %dma_start3A_271] : memref<20000x80xf32, #tpu.memory_space<hbm>> -> memref<20000x80xf32, #tpu.memory_space<hbm>>
        tpu.enqueue_indirect_dma source(%dma_start3A_272 : memref<20000x80xf32, #tpu.memory_space<hbm>>) target(%arg13 : memref<128x80xf32, #tpu.memory_space<vmem>>) offsets(%dma_start3A_269 : memref<128xi32, #tpu.memory_space<vmem>>) semaphore(%arg23 : memref<!tpu.dma_semaphore, #tpu.memory_space<semaphore_mem>>)
      } else {
      }
      %dma_wait3A_64 = arith.constant 0 : i32
      %dma_wait3A_65 = arith.constant 0 : i32
      %dma_wait3A_66 = tpu.memref_slice %arg8[%dma_wait3A_64, %dma_wait3A_65] : memref<4x128xi32, #tpu.memory_space<vmem>> -> memref<1x128xi32, #tpu.memory_space<vmem>>
      %dma_wait3A_67 = tpu.memref_squeeze %dma_wait3A_66 : memref<1x128xi32, #tpu.memory_space<vmem>> -> memref<128xi32, #tpu.memory_space<vmem>>
      %dma_wait3A_68 = arith.constant 0 : i32
      %dma_wait3A_69 = arith.constant 0 : i32
      %dma_wait3A_70 = tpu.memref_slice %arg2[%dma_wait3A_68, %dma_wait3A_69] : memref<20000x80xf32, #tpu.memory_space<hbm>> -> memref<20000x80xf32, #tpu.memory_space<hbm>>
      tpu.wait_indirect_dma semaphore(%arg22 : memref<!tpu.dma_semaphore, #tpu.memory_space<semaphore_mem>>) src(%dma_wait3A_70 : memref<20000x80xf32, #tpu.memory_space<hbm>>) dst(%arg12 : memref<128x80xf32, #tpu.memory_space<vmem>>)
      %dma_start3A_71 = arith.constant 1 : i32
      %dma_start3A_72 = arith.constant 0 : i32
      %dma_start3A_73 = tpu.memref_slice %arg8[%dma_start3A_71, %dma_start3A_72] : memref<4x128xi32, #tpu.memory_space<vmem>> -> memref<1x128xi32, #tpu.memory_space<vmem>>
      %dma_start3A_74 = tpu.memref_squeeze %dma_start3A_73 : memref<1x128xi32, #tpu.memory_space<vmem>> -> memref<128xi32, #tpu.memory_space<vmem>>
      %dma_start3A_75 = arith.constant 0 : i32
      %dma_start3A_76 = arith.constant 0 : i32
      %dma_start3A_77 = tpu.memref_slice %arg16[%dma_start3A_75, %dma_start3A_76] : memref<10112x80xf32, #tpu.memory_space<vmem_shared>> -> memref<10112x80xf32, #tpu.memory_space<vmem_shared>>
      tpu.enqueue_indirect_dma source(%arg12 : memref<128x80xf32, #tpu.memory_space<vmem>>) target(%dma_start3A_77 : memref<10112x80xf32, #tpu.memory_space<vmem_shared>>) offsets(%dma_start3A_74 : memref<128xi32, #tpu.memory_space<vmem>>) semaphore(%arg24 : memref<!tpu.dma_semaphore, #tpu.memory_space<semaphore_mem>>) {add = true}
      %ge3A = arith.constant 2 : i32
      %ge3A_78 = arith.cmpi sge, %add3A_59, %ge3A : i32
      %convert_element_type3A_79 = arith.extui %ge3A_78 : i1 to i32
      %cond3A_80 = arith.constant 0 : i32
      %cond3A_81 = arith.cmpi ne, %convert_element_type3A_79, %cond3A_80 : i32
      scf.if %cond3A_81 {
        %dma_wait3A_252 = arith.constant 0 : i32
        %dma_wait3A_253 = arith.constant 0 : i32
        %dma_wait3A_254 = tpu.memref_slice %arg17[%dma_wait3A_252, %dma_wait3A_253] : memref<10112x64xf32, #tpu.memory_space<vmem_shared>> -> memref<128x64xf32, #tpu.memory_space<vmem_shared>>
        %dma_wait3A_255 = arith.constant 0 : i32
        %dma_wait3A_256 = arith.constant 0 : i32
        %dma_wait3A_257 = tpu.memref_slice %arg17[%dma_wait3A_255, %dma_wait3A_256] : memref<10112x64xf32, #tpu.memory_space<vmem_shared>> -> memref<128x64xf32, #tpu.memory_space<vmem_shared>>
        tpu.wait_dma2 semaphore(%arg26 : memref<!tpu.dma_semaphore, #tpu.memory_space<semaphore_mem>>) src(%arg14 : memref<128x64xf32, #tpu.memory_space<vmem>>) dst(%dma_wait3A_257 : memref<128x64xf32, #tpu.memory_space<vmem_shared>>)
      } else {
      }
      %add3A_82 = arith.constant 2 : i32
      %add3A_83 = arith.addi %add3A_59, %add3A_82 : i32
      %lt3A_84 = arith.constant 160 : i32
      %lt3A_85 = arith.cmpi slt, %add3A_83, %lt3A_84 : i32
      %convert_element_type3A_86 = arith.extui %lt3A_85 : i1 to i32
      %cond3A_87 = arith.constant 0 : i32
      %cond3A_88 = arith.cmpi ne, %convert_element_type3A_86, %cond3A_87 : i32
      scf.if %cond3A_88 {
        %add3A_252 = arith.constant 2 : i32
        %add3A_253 = arith.addi %add3A_59, %add3A_252 : i32
        %dma_start3A_254 = arith.constant 0 : i32
        %dma_start3A_255 = arith.constant 0 : i32
        %dma_start3A_256 = tpu.memref_slice %arg3[%arg0, %arg1, %add3A_253, %dma_start3A_254, %dma_start3A_255] : memref<2x16x160x4x128xi32, #tpu.memory_space<hbm>> -> memref<1x1x1x4x128xi32, #tpu.memory_space<hbm>>
        %dma_start3A_257 = tpu.memref_squeeze %dma_start3A_256 : memref<1x1x1x4x128xi32, #tpu.memory_space<hbm>> -> memref<4x128xi32, #tpu.memory_space<hbm>>
        %dma_start3A_258 = arith.constant 0 : i32
        %dma_start3A_259 = arith.constant 0 : i32
        %dma_start3A_260 = tpu.memref_slice %arg3[%arg0, %arg1, %add3A_253, %dma_start3A_258, %dma_start3A_259] : memref<2x16x160x4x128xi32, #tpu.memory_space<hbm>> -> memref<1x1x1x4x128xi32, #tpu.memory_space<hbm>>
        %dma_start3A_261 = tpu.memref_squeeze %dma_start3A_260 : memref<1x1x1x4x128xi32, #tpu.memory_space<hbm>> -> memref<4x128xi32, #tpu.memory_space<hbm>>
        tpu.enqueue_dma source(%dma_start3A_261 : memref<4x128xi32, #tpu.memory_space<hbm>>) target(%arg10 : memref<4x128xi32, #tpu.memory_space<vmem>>) target_semaphore(%arg20 : memref<!tpu.dma_semaphore, #tpu.memory_space<semaphore_mem>>)
      } else {
      }
      %scan3A_89 = arith.constant 0 : i32
      %scan3A_90 = arith.constant 0 : i32
      %scan3A_91 = arith.constant 128 : i32
      %scan3A_92 = arith.addi %scan3A_90, %scan3A_91 : i32
      %scan3A_93 = arith.constant 1 : i32
      scf.for %scan3A_252 = %scan3A_90 to %scan3A_92 step %scan3A_93  : i32 {
        %get3A = arith.constant 2 : i32
        %get3A_253 = arith.index_cast %get3A : i32 to index
        %get3A_254 = arith.index_cast %scan3A_252 : i32 to index
        %get3A_255 = tpu.vector_load %arg8[%get3A_253, %get3A_254] {strides = array<i32>} : memref<4x128xi32, #tpu.memory_space<vmem>>, vector<16xi32>,
        %bitcast3A = vector.bitcast %get3A_255 : vector<16xi32> to vector<16xf32>
        %slice3A = vector.extract_strided_slice %bitcast3A {offsets = [0], sizes = [1], strides = [1]} : vector<16xf32> to vector<1xf32>
        %squeeze3A = vector.extract %slice3A[0] : f32 from vector<1xf32>
        %get3A_256 = arith.index_cast %scan3A_252 : i32 to index
        %get3A_257 = arith.constant 0 : index
        %get3A_258 = tpu.vector_load %arg12[%get3A_256, %get3A_257] {strides = array<i32>} : memref<128x80xf32, #tpu.memory_space<vmem>>, vector<16xf32>,
        %mul3A_259 = vector.broadcast %squeeze3A : f32 to vector<16xf32>
        %mul3A_260 = arith.mulf %get3A_258, %mul3A_259 : vector<16xf32>
        %swap3A = arith.index_cast %scan3A_252 : i32 to index
        %swap3A_261 = arith.constant 0 : index
        %swap3A_262 = tpu.vector_load %arg14[%swap3A, %swap3A_261] {strides = array<i32>} : memref<128x64xf32, #tpu.memory_space<vmem>>, vector<16xf32>,
        tpu.vector_store %arg14[%swap3A, %swap3A_261], %mul3A_260 {strides = array<i32>} : memref<128x64xf32, #tpu.memory_space<vmem>>, vector<16xf32>,
        %get3A_263 = arith.index_cast %scan3A_252 : i32 to index
        %get3A_264 = arith.constant 16 : index
        %get3A_265 = tpu.vector_load %arg12[%get3A_263, %get3A_264] {strides = array<i32>} : memref<128x80xf32, #tpu.memory_space<vmem>>, vector<16xf32>,
        %mul3A_266 = vector.broadcast %squeeze3A : f32 to vector<16xf32>
        %mul3A_267 = arith.mulf %get3A_265, %mul3A_266 : vector<16xf32>
        %swap3A_268 = arith.index_cast %scan3A_252 : i32 to index
        %swap3A_269 = arith.constant 16 : index
        %swap3A_270 = tpu.vector_load %arg14[%swap3A_268, %swap3A_269] {strides = array<i32>} : memref<128x64xf32, #tpu.memory_space<vmem>>, vector<16xf32>,
        tpu.vector_store %arg14[%swap3A_268, %swap3A_269], %mul3A_267 {strides = array<i32>} : memref<128x64xf32, #tpu.memory_space<vmem>>, vector<16xf32>,
        %get3A_271 = arith.index_cast %scan3A_252 : i32 to index
        %get3A_272 = arith.constant 32 : index
        %get3A_273 = tpu.vector_load %arg12[%get3A_271, %get3A_272] {strides = array<i32>} : memref<128x80xf32, #tpu.memory_space<vmem>>, vector<16xf32>,
        %mul3A_274 = vector.broadcast %squeeze3A : f32 to vector<16xf32>
        %mul3A_275 = arith.mulf %get3A_273, %mul3A_274 : vector<16xf32>
        %swap3A_276 = arith.index_cast %scan3A_252 : i32 to index
        %swap3A_277 = arith.constant 32 : index
        %swap3A_278 = tpu.vector_load %arg14[%swap3A_276, %swap3A_277] {strides = array<i32>} : memref<128x64xf32, #tpu.memory_space<vmem>>, vector<16xf32>,
        tpu.vector_store %arg14[%swap3A_276, %swap3A_277], %mul3A_275 {strides = array<i32>} : memref<128x64xf32, #tpu.memory_space<vmem>>, vector<16xf32>,
        %get3A_279 = arith.index_cast %scan3A_252 : i32 to index
        %get3A_280 = arith.constant 48 : index
        %get3A_281 = tpu.vector_load %arg12[%get3A_279, %get3A_280] {strides = array<i32>} : memref<128x80xf32, #tpu.memory_space<vmem>>, vector<16xf32>,
        %mul3A_282 = vector.broadcast %squeeze3A : f32 to vector<16xf32>
        %mul3A_283 = arith.mulf %get3A_281, %mul3A_282 : vector<16xf32>
        %swap3A_284 = arith.index_cast %scan3A_252 : i32 to index
        %swap3A_285 = arith.constant 48 : index
        %swap3A_286 = tpu.vector_load %arg14[%swap3A_284, %swap3A_285] {strides = array<i32>} : memref<128x64xf32, #tpu.memory_space<vmem>>, vector<16xf32>,
        tpu.vector_store %arg14[%swap3A_284, %swap3A_285], %mul3A_283 {strides = array<i32>} : memref<128x64xf32, #tpu.memory_space<vmem>>, vector<16xf32>,
      }
      %scan3A_94 = arith.constant 128 : i32
      %dma_start3A_95 = arith.constant 1 : i32
      %dma_start3A_96 = arith.constant 0 : i32
      %dma_start3A_97 = tpu.memref_slice %arg8[%dma_start3A_95, %dma_start3A_96] : memref<4x128xi32, #tpu.memory_space<vmem>> -> memref<1x128xi32, #tpu.memory_space<vmem>>
      %dma_start3A_98 = tpu.memref_squeeze %dma_start3A_97 : memref<1x128xi32, #tpu.memory_space<vmem>> -> memref<128xi32, #tpu.memory_space<vmem>>
      %dma_start3A_99 = arith.constant 0 : i32
      %dma_start3A_100 = arith.constant 0 : i32
      %dma_start3A_101 = tpu.memref_slice %arg17[%dma_start3A_99, %dma_start3A_100] : memref<10112x64xf32, #tpu.memory_space<vmem_shared>> -> memref<10112x64xf32, #tpu.memory_space<vmem_shared>>
      tpu.enqueue_indirect_dma source(%arg14 : memref<128x64xf32, #tpu.memory_space<vmem>>) target(%dma_start3A_101 : memref<10112x64xf32, #tpu.memory_space<vmem_shared>>) offsets(%dma_start3A_98 : memref<128xi32, #tpu.memory_space<vmem>>) semaphore(%arg26 : memref<!tpu.dma_semaphore, #tpu.memory_space<semaphore_mem>>) {add = true}
      %mul3A_102 = arith.constant 4 : i32
      %mul3A_103 = arith.muli %mul3A_102, %scan3A_55 : i32
      %add3A_104 = arith.constant 1 : i32
      %add3A_105 = arith.addi %mul3A_103, %add3A_104 : i32
      %add3A_106 = arith.constant 1 : i32
      %add3A_107 = arith.addi %add3A_105, %add3A_106 : i32
      %lt3A_108 = arith.constant 160 : i32
      %lt3A_109 = arith.cmpi slt, %add3A_107, %lt3A_108 : i32
      %convert_element_type3A_110 = arith.extui %lt3A_109 : i1 to i32
      %cond3A_111 = arith.constant 0 : i32
      %cond3A_112 = arith.cmpi ne, %convert_element_type3A_110, %cond3A_111 : i32
      scf.if %cond3A_112 {
        %ge3A_252 = arith.constant 1 : i32
        %ge3A_253 = arith.cmpi sge, %add3A_105, %ge3A_252 : i32
        %convert_element_type3A_254 = arith.extui %ge3A_253 : i1 to i32
        %cond3A_255 = arith.constant 0 : i32
        %cond3A_256 = arith.cmpi ne, %convert_element_type3A_254, %cond3A_255 : i32
        scf.if %cond3A_256 {
          %dma_wait3A_273 = arith.constant 0 : i32
          %dma_wait3A_274 = arith.constant 0 : i32
          %dma_wait3A_275 = tpu.memref_slice %arg16[%dma_wait3A_273, %dma_wait3A_274] : memref<10112x80xf32, #tpu.memory_space<vmem_shared>> -> memref<128x80xf32, #tpu.memory_space<vmem_shared>>
          %dma_wait3A_276 = arith.constant 0 : i32
          %dma_wait3A_277 = arith.constant 0 : i32
          %dma_wait3A_278 = tpu.memref_slice %arg16[%dma_wait3A_276, %dma_wait3A_277] : memref<10112x80xf32, #tpu.memory_space<vmem_shared>> -> memref<128x80xf32, #tpu.memory_space<vmem_shared>>
          tpu.wait_dma2 semaphore(%arg24 : memref<!tpu.dma_semaphore, #tpu.memory_space<semaphore_mem>>) src(%arg12 : memref<128x80xf32, #tpu.memory_space<vmem>>) dst(%dma_wait3A_278 : memref<128x80xf32, #tpu.memory_space<vmem_shared>>)
        } else {
        }
        %dma_wait3A_257 = arith.constant 0 : i32
        %dma_wait3A_258 = arith.constant 0 : i32
        %dma_wait3A_259 = arith.constant 0 : i32
        %dma_wait3A_260 = tpu.memref_slice %arg3[%arg0, %arg1, %dma_wait3A_257, %dma_wait3A_258, %dma_wait3A_259] : memref<2x16x160x4x128xi32, #tpu.memory_space<hbm>> -> memref<1x1x1x4x128xi32, #tpu.memory_space<hbm>>
        %dma_wait3A_261 = tpu.memref_squeeze %dma_wait3A_260 : memref<1x1x1x4x128xi32, #tpu.memory_space<hbm>> -> memref<4x128xi32, #tpu.memory_space<hbm>>
        %dma_wait3A_262 = arith.constant 0 : i32
        %dma_wait3A_263 = arith.constant 0 : i32
        %dma_wait3A_264 = tpu.memref_slice %arg3[%arg0, %arg1, %dma_wait3A_257, %dma_wait3A_262, %dma_wait3A_263] : memref<2x16x160x4x128xi32, #tpu.memory_space<hbm>> -> memref<1x1x1x4x128xi32, #tpu.memory_space<hbm>>
        %dma_wait3A_265 = tpu.memref_squeeze %dma_wait3A_264 : memref<1x1x1x4x128xi32, #tpu.memory_space<hbm>> -> memref<4x128xi32, #tpu.memory_space<hbm>>
        tpu.wait_dma2 semaphore(%arg20 : memref<!tpu.dma_semaphore, #tpu.memory_space<semaphore_mem>>) src(%dma_wait3A_265 : memref<4x128xi32, #tpu.memory_space<hbm>>) dst(%arg10 : memref<4x128xi32, #tpu.memory_space<vmem>>)
        %dma_start3A_266 = arith.constant 0 : i32
        %dma_start3A_267 = arith.constant 0 : i32
        %dma_start3A_268 = tpu.memref_slice %arg10[%dma_start3A_266, %dma_start3A_267] : memref<4x128xi32, #tpu.memory_space<vmem>> -> memref<1x128xi32, #tpu.memory_space<vmem>>
        %dma_start3A_269 = tpu.memref_squeeze %dma_start3A_268 : memref<1x128xi32, #tpu.memory_space<vmem>> -> memref<128xi32, #tpu.memory_space<vmem>>
        %dma_start3A_270 = arith.constant 0 : i32
        %dma_start3A_271 = arith.constant 0 : i32
        %dma_start3A_272 = tpu.memref_slice %arg2[%dma_start3A_270, %dma_start3A_271] : memref<20000x80xf32, #tpu.memory_space<hbm>> -> memref<20000x80xf32, #tpu.memory_space<hbm>>
        tpu.enqueue_indirect_dma source(%dma_start3A_272 : memref<20000x80xf32, #tpu.memory_space<hbm>>) target(%arg12 : memref<128x80xf32, #tpu.memory_space<vmem>>) offsets(%dma_start3A_269 : memref<128xi32, #tpu.memory_space<vmem>>) semaphore(%arg22 : memref<!tpu.dma_semaphore, #tpu.memory_space<semaphore_mem>>)
      } else {
      }
      %dma_wait3A_113 = arith.constant 0 : i32
      %dma_wait3A_114 = arith.constant 0 : i32
      %dma_wait3A_115 = tpu.memref_slice %arg9[%dma_wait3A_113, %dma_wait3A_114] : memref<4x128xi32, #tpu.memory_space<vmem>> -> memref<1x128xi32, #tpu.memory_space<vmem>>
      %dma_wait3A_116 = tpu.memref_squeeze %dma_wait3A_115 : memref<1x128xi32, #tpu.memory_space<vmem>> -> memref<128xi32, #tpu.memory_space<vmem>>
      %dma_wait3A_117 = arith.constant 0 : i32
      %dma_wait3A_118 = arith.constant 0 : i32
      %dma_wait3A_119 = tpu.memref_slice %arg2[%dma_wait3A_117, %dma_wait3A_118] : memref<20000x80xf32, #tpu.memory_space<hbm>> -> memref<20000x80xf32, #tpu.memory_space<hbm>>
      tpu.wait_indirect_dma semaphore(%arg23 : memref<!tpu.dma_semaphore, #tpu.memory_space<semaphore_mem>>) src(%dma_wait3A_119 : memref<20000x80xf32, #tpu.memory_space<hbm>>) dst(%arg13 : memref<128x80xf32, #tpu.memory_space<vmem>>)
      %dma_start3A_120 = arith.constant 1 : i32
      %dma_start3A_121 = arith.constant 0 : i32
      %dma_start3A_122 = tpu.memref_slice %arg9[%dma_start3A_120, %dma_start3A_121] : memref<4x128xi32, #tpu.memory_space<vmem>> -> memref<1x128xi32, #tpu.memory_space<vmem>>
      %dma_start3A_123 = tpu.memref_squeeze %dma_start3A_122 : memref<1x128xi32, #tpu.memory_space<vmem>> -> memref<128xi32, #tpu.memory_space<vmem>>
      %dma_start3A_124 = arith.constant 0 : i32
      %dma_start3A_125 = arith.constant 0 : i32
      %dma_start3A_126 = tpu.memref_slice %arg16[%dma_start3A_124, %dma_start3A_125] : memref<10112x80xf32, #tpu.memory_space<vmem_shared>> -> memref<10112x80xf32, #tpu.memory_space<vmem_shared>>
      tpu.enqueue_indirect_dma source(%arg13 : memref<128x80xf32, #tpu.memory_space<vmem>>) target(%dma_start3A_126 : memref<10112x80xf32, #tpu.memory_space<vmem_shared>>) offsets(%dma_start3A_123 : memref<128xi32, #tpu.memory_space<vmem>>) semaphore(%arg25 : memref<!tpu.dma_semaphore, #tpu.memory_space<semaphore_mem>>) {add = true}
      %ge3A_127 = arith.constant 2 : i32
      %ge3A_128 = arith.cmpi sge, %add3A_105, %ge3A_127 : i32
      %convert_element_type3A_129 = arith.extui %ge3A_128 : i1 to i32
      %cond3A_130 = arith.constant 0 : i32
      %cond3A_131 = arith.cmpi ne, %convert_element_type3A_129, %cond3A_130 : i32
      scf.if %cond3A_131 {
        %dma_wait3A_252 = arith.constant 0 : i32
        %dma_wait3A_253 = arith.constant 0 : i32
        %dma_wait3A_254 = tpu.memref_slice %arg17[%dma_wait3A_252, %dma_wait3A_253] : memref<10112x64xf32, #tpu.memory_space<vmem_shared>> -> memref<128x64xf32, #tpu.memory_space<vmem_shared>>
        %dma_wait3A_255 = arith.constant 0 : i32
        %dma_wait3A_256 = arith.constant 0 : i32
        %dma_wait3A_257 = tpu.memref_slice %arg17[%dma_wait3A_255, %dma_wait3A_256] : memref<10112x64xf32, #tpu.memory_space<vmem_shared>> -> memref<128x64xf32, #tpu.memory_space<vmem_shared>>
        tpu.wait_dma2 semaphore(%arg27 : memref<!tpu.dma_semaphore, #tpu.memory_space<semaphore_mem>>) src(%arg15 : memref<128x64xf32, #tpu.memory_space<vmem>>) dst(%dma_wait3A_257 : memref<128x64xf32, #tpu.memory_space<vmem_shared>>)
      } else {
      }
      %add3A_132 = arith.constant 2 : i32
      %add3A_133 = arith.addi %add3A_105, %add3A_132 : i32
      %lt3A_134 = arith.constant 160 : i32
      %lt3A_135 = arith.cmpi slt, %add3A_133, %lt3A_134 : i32
      %convert_element_type3A_136 = arith.extui %lt3A_135 : i1 to i32
      %cond3A_137 = arith.constant 0 : i32
      %cond3A_138 = arith.cmpi ne, %convert_element_type3A_136, %cond3A_137 : i32
      scf.if %cond3A_138 {
        %add3A_252 = arith.constant 2 : i32
        %add3A_253 = arith.addi %add3A_105, %add3A_252 : i32
        %dma_start3A_254 = arith.constant 0 : i32
        %dma_start3A_255 = arith.constant 0 : i32
        %dma_start3A_256 = tpu.memref_slice %arg3[%arg0, %arg1, %add3A_253, %dma_start3A_254, %dma_start3A_255] : memref<2x16x160x4x128xi32, #tpu.memory_space<hbm>> -> memref<1x1x1x4x128xi32, #tpu.memory_space<hbm>>
        %dma_start3A_257 = tpu.memref_squeeze %dma_start3A_256 : memref<1x1x1x4x128xi32, #tpu.memory_space<hbm>> -> memref<4x128xi32, #tpu.memory_space<hbm>>
        %dma_start3A_258 = arith.constant 0 : i32
        %dma_start3A_259 = arith.constant 0 : i32
        %dma_start3A_260 = tpu.memref_slice %arg3[%arg0, %arg1, %add3A_253, %dma_start3A_258, %dma_start3A_259] : memref<2x16x160x4x128xi32, #tpu.memory_space<hbm>> -> memref<1x1x1x4x128xi32, #tpu.memory_space<hbm>>
        %dma_start3A_261 = tpu.memref_squeeze %dma_start3A_260 : memref<1x1x1x4x128xi32, #tpu.memory_space<hbm>> -> memref<4x128xi32, #tpu.memory_space<hbm>>
        tpu.enqueue_dma source(%dma_start3A_261 : memref<4x128xi32, #tpu.memory_space<hbm>>) target(%arg11 : memref<4x128xi32, #tpu.memory_space<vmem>>) target_semaphore(%arg21 : memref<!tpu.dma_semaphore, #tpu.memory_space<semaphore_mem>>)
      } else {
      }
      %scan3A_139 = arith.constant 0 : i32
      %scan3A_140 = arith.constant 0 : i32
      %scan3A_141 = arith.constant 128 : i32
      %scan3A_142 = arith.addi %scan3A_140, %scan3A_141 : i32
      %scan3A_143 = arith.constant 1 : i32
      scf.for %scan3A_252 = %scan3A_140 to %scan3A_142 step %scan3A_143  : i32 {
        %get3A = arith.constant 2 : i32
        %get3A_253 = arith.index_cast %get3A : i32 to index
        %get3A_254 = arith.index_cast %scan3A_252 : i32 to index
        %get3A_255 = tpu.vector_load %arg9[%get3A_253, %get3A_254] {strides = array<i32>} : memref<4x128xi32, #tpu.memory_space<vmem>>, vector<16xi32>,
        %bitcast3A = vector.bitcast %get3A_255 : vector<16xi32> to vector<16xf32>
        %slice3A = vector.extract_strided_slice %bitcast3A {offsets = [0], sizes = [1], strides = [1]} : vector<16xf32> to vector<1xf32>
        %squeeze3A = vector.extract %slice3A[0] : f32 from vector<1xf32>
        %get3A_256 = arith.index_cast %scan3A_252 : i32 to index
        %get3A_257 = arith.constant 0 : index
        %get3A_258 = tpu.vector_load %arg13[%get3A_256, %get3A_257] {strides = array<i32>} : memref<128x80xf32, #tpu.memory_space<vmem>>, vector<16xf32>,
        %mul3A_259 = vector.broadcast %squeeze3A : f32 to vector<16xf32>
        %mul3A_260 = arith.mulf %get3A_258, %mul3A_259 : vector<16xf32>
        %swap3A = arith.index_cast %scan3A_252 : i32 to index
        %swap3A_261 = arith.constant 0 : index
        %swap3A_262 = tpu.vector_load %arg15[%swap3A, %swap3A_261] {strides = array<i32>} : memref<128x64xf32, #tpu.memory_space<vmem>>, vector<16xf32>,
        tpu.vector_store %arg15[%swap3A, %swap3A_261], %mul3A_260 {strides = array<i32>} : memref<128x64xf32, #tpu.memory_space<vmem>>, vector<16xf32>,
        %get3A_263 = arith.index_cast %scan3A_252 : i32 to index
        %get3A_264 = arith.constant 16 : index
        %get3A_265 = tpu.vector_load %arg13[%get3A_263, %get3A_264] {strides = array<i32>} : memref<128x80xf32, #tpu.memory_space<vmem>>, vector<16xf32>,
        %mul3A_266 = vector.broadcast %squeeze3A : f32 to vector<16xf32>
        %mul3A_267 = arith.mulf %get3A_265, %mul3A_266 : vector<16xf32>
        %swap3A_268 = arith.index_cast %scan3A_252 : i32 to index
        %swap3A_269 = arith.constant 16 : index
        %swap3A_270 = tpu.vector_load %arg15[%swap3A_268, %swap3A_269] {strides = array<i32>} : memref<128x64xf32, #tpu.memory_space<vmem>>, vector<16xf32>,
        tpu.vector_store %arg15[%swap3A_268, %swap3A_269], %mul3A_267 {strides = array<i32>} : memref<128x64xf32, #tpu.memory_space<vmem>>, vector<16xf32>,
        %get3A_271 = arith.index_cast %scan3A_252 : i32 to index
        %get3A_272 = arith.constant 32 : index
        %get3A_273 = tpu.vector_load %arg13[%get3A_271, %get3A_272] {strides = array<i32>} : memref<128x80xf32, #tpu.memory_space<vmem>>, vector<16xf32>,
        %mul3A_274 = vector.broadcast %squeeze3A : f32 to vector<16xf32>
        %mul3A_275 = arith.mulf %get3A_273, %mul3A_274 : vector<16xf32>
        %swap3A_276 = arith.index_cast %scan3A_252 : i32 to index
        %swap3A_277 = arith.constant 32 : index
        %swap3A_278 = tpu.vector_load %arg15[%swap3A_276, %swap3A_277] {strides = array<i32>} : memref<128x64xf32, #tpu.memory_space<vmem>>, vector<16xf32>,
        tpu.vector_store %arg15[%swap3A_276, %swap3A_277], %mul3A_275 {strides = array<i32>} : memref<128x64xf32, #tpu.memory_space<vmem>>, vector<16xf32>,
        %get3A_279 = arith.index_cast %scan3A_252 : i32 to index
        %get3A_280 = arith.constant 48 : index
        %get3A_281 = tpu.vector_load %arg13[%get3A_279, %get3A_280] {strides = array<i32>} : memref<128x80xf32, #tpu.memory_space<vmem>>, vector<16xf32>,
        %mul3A_282 = vector.broadcast %squeeze3A : f32 to vector<16xf32>
        %mul3A_283 = arith.mulf %get3A_281, %mul3A_282 : vector<16xf32>
        %swap3A_284 = arith.index_cast %scan3A_252 : i32 to index
        %swap3A_285 = arith.constant 48 : index
        %swap3A_286 = tpu.vector_load %arg15[%swap3A_284, %swap3A_285] {strides = array<i32>} : memref<128x64xf32, #tpu.memory_space<vmem>>, vector<16xf32>,
        tpu.vector_store %arg15[%swap3A_284, %swap3A_285], %mul3A_283 {strides = array<i32>} : memref<128x64xf32, #tpu.memory_space<vmem>>, vector<16xf32>,
      }
      %scan3A_144 = arith.constant 128 : i32
      %dma_start3A_145 = arith.constant 1 : i32
      %dma_start3A_146 = arith.constant 0 : i32
      %dma_start3A_147 = tpu.memref_slice %arg9[%dma_start3A_145, %dma_start3A_146] : memref<4x128xi32, #tpu.memory_space<vmem>> -> memref<1x128xi32, #tpu.memory_space<vmem>>
      %dma_start3A_148 = tpu.memref_squeeze %dma_start3A_147 : memref<1x128xi32, #tpu.memory_space<vmem>> -> memref<128xi32, #tpu.memory_space<vmem>>
      %dma_start3A_149 = arith.constant 0 : i32
      %dma_start3A_150 = arith.constant 0 : i32
      %dma_start3A_151 = tpu.memref_slice %arg17[%dma_start3A_149, %dma_start3A_150] : memref<10112x64xf32, #tpu.memory_space<vmem_shared>> -> memref<10112x64xf32, #tpu.memory_space<vmem_shared>>
      tpu.enqueue_indirect_dma source(%arg15 : memref<128x64xf32, #tpu.memory_space<vmem>>) target(%dma_start3A_151 : memref<10112x64xf32, #tpu.memory_space<vmem_shared>>) offsets(%dma_start3A_148 : memref<128xi32, #tpu.memory_space<vmem>>) semaphore(%arg27 : memref<!tpu.dma_semaphore, #tpu.memory_space<semaphore_mem>>) {add = true}
      %mul3A_152 = arith.constant 4 : i32
      %mul3A_153 = arith.muli %mul3A_152, %scan3A_55 : i32
      %add3A_154 = arith.constant 2 : i32
      %add3A_155 = arith.addi %mul3A_153, %add3A_154 : i32
      %add3A_156 = arith.constant 1 : i32
      %add3A_157 = arith.addi %add3A_155, %add3A_156 : i32
      %lt3A_158 = arith.constant 160 : i32
      %lt3A_159 = arith.cmpi slt, %add3A_157, %lt3A_158 : i32
      %convert_element_type3A_160 = arith.extui %lt3A_159 : i1 to i32
      %cond3A_161 = arith.constant 0 : i32
      %cond3A_162 = arith.cmpi ne, %convert_element_type3A_160, %cond3A_161 : i32
      scf.if %cond3A_162 {
        %ge3A_252 = arith.constant 1 : i32
        %ge3A_253 = arith.cmpi sge, %add3A_155, %ge3A_252 : i32
        %convert_element_type3A_254 = arith.extui %ge3A_253 : i1 to i32
        %cond3A_255 = arith.constant 0 : i32
        %cond3A_256 = arith.cmpi ne, %convert_element_type3A_254, %cond3A_255 : i32
        scf.if %cond3A_256 {
          %dma_wait3A_273 = arith.constant 0 : i32
          %dma_wait3A_274 = arith.constant 0 : i32
          %dma_wait3A_275 = tpu.memref_slice %arg16[%dma_wait3A_273, %dma_wait3A_274] : memref<10112x80xf32, #tpu.memory_space<vmem_shared>> -> memref<128x80xf32, #tpu.memory_space<vmem_shared>>
          %dma_wait3A_276 = arith.constant 0 : i32
          %dma_wait3A_277 = arith.constant 0 : i32
          %dma_wait3A_278 = tpu.memref_slice %arg16[%dma_wait3A_276, %dma_wait3A_277] : memref<10112x80xf32, #tpu.memory_space<vmem_shared>> -> memref<128x80xf32, #tpu.memory_space<vmem_shared>>
          tpu.wait_dma2 semaphore(%arg25 : memref<!tpu.dma_semaphore, #tpu.memory_space<semaphore_mem>>) src(%arg13 : memref<128x80xf32, #tpu.memory_space<vmem>>) dst(%dma_wait3A_278 : memref<128x80xf32, #tpu.memory_space<vmem_shared>>)
        } else {
        }
        %dma_wait3A_257 = arith.constant 0 : i32
        %dma_wait3A_258 = arith.constant 0 : i32
        %dma_wait3A_259 = arith.constant 0 : i32
        %dma_wait3A_260 = tpu.memref_slice %arg3[%arg0, %arg1, %dma_wait3A_257, %dma_wait3A_258, %dma_wait3A_259] : memref<2x16x160x4x128xi32, #tpu.memory_space<hbm>> -> memref<1x1x1x4x128xi32, #tpu.memory_space<hbm>>
        %dma_wait3A_261 = tpu.memref_squeeze %dma_wait3A_260 : memref<1x1x1x4x128xi32, #tpu.memory_space<hbm>> -> memref<4x128xi32, #tpu.memory_space<hbm>>
        %dma_wait3A_262 = arith.constant 0 : i32
        %dma_wait3A_263 = arith.constant 0 : i32
        %dma_wait3A_264 = tpu.memref_slice %arg3[%arg0, %arg1, %dma_wait3A_257, %dma_wait3A_262, %dma_wait3A_263] : memref<2x16x160x4x128xi32, #tpu.memory_space<hbm>> -> memref<1x1x1x4x128xi32, #tpu.memory_space<hbm>>
        %dma_wait3A_265 = tpu.memref_squeeze %dma_wait3A_264 : memref<1x1x1x4x128xi32, #tpu.memory_space<hbm>> -> memref<4x128xi32, #tpu.memory_space<hbm>>
        tpu.wait_dma2 semaphore(%arg21 : memref<!tpu.dma_semaphore, #tpu.memory_space<semaphore_mem>>) src(%dma_wait3A_265 : memref<4x128xi32, #tpu.memory_space<hbm>>) dst(%arg11 : memref<4x128xi32, #tpu.memory_space<vmem>>)
        %dma_start3A_266 = arith.constant 0 : i32
        %dma_start3A_267 = arith.constant 0 : i32
        %dma_start3A_268 = tpu.memref_slice %arg11[%dma_start3A_266, %dma_start3A_267] : memref<4x128xi32, #tpu.memory_space<vmem>> -> memref<1x128xi32, #tpu.memory_space<vmem>>
        %dma_start3A_269 = tpu.memref_squeeze %dma_start3A_268 : memref<1x128xi32, #tpu.memory_space<vmem>> -> memref<128xi32, #tpu.memory_space<vmem>>
        %dma_start3A_270 = arith.constant 0 : i32
        %dma_start3A_271 = arith.constant 0 : i32
        %dma_start3A_272 = tpu.memref_slice %arg2[%dma_start3A_270, %dma_start3A_271] : memref<20000x80xf32, #tpu.memory_space<hbm>> -> memref<20000x80xf32, #tpu.memory_space<hbm>>
        tpu.enqueue_indirect_dma source(%dma_start3A_272 : memref<20000x80xf32, #tpu.memory_space<hbm>>) target(%arg13 : memref<128x80xf32, #tpu.memory_space<vmem>>) offsets(%dma_start3A_269 : memref<128xi32, #tpu.memory_space<vmem>>) semaphore(%arg23 : memref<!tpu.dma_semaphore, #tpu.memory_space<semaphore_mem>>)
      } else {
      }
      %dma_wait3A_163 = arith.constant 0 : i32
      %dma_wait3A_164 = arith.constant 0 : i32
      %dma_wait3A_165 = tpu.memref_slice %arg10[%dma_wait3A_163, %dma_wait3A_164] : memref<4x128xi32, #tpu.memory_space<vmem>> -> memref<1x128xi32, #tpu.memory_space<vmem>>
      %dma_wait3A_166 = tpu.memref_squeeze %dma_wait3A_165 : memref<1x128xi32, #tpu.memory_space<vmem>> -> memref<128xi32, #tpu.memory_space<vmem>>
      %dma_wait3A_167 = arith.constant 0 : i32
      %dma_wait3A_168 = arith.constant 0 : i32
      %dma_wait3A_169 = tpu.memref_slice %arg2[%dma_wait3A_167, %dma_wait3A_168] : memref<20000x80xf32, #tpu.memory_space<hbm>> -> memref<20000x80xf32, #tpu.memory_space<hbm>>
      tpu.wait_indirect_dma semaphore(%arg22 : memref<!tpu.dma_semaphore, #tpu.memory_space<semaphore_mem>>) src(%dma_wait3A_169 : memref<20000x80xf32, #tpu.memory_space<hbm>>) dst(%arg12 : memref<128x80xf32, #tpu.memory_space<vmem>>)
      %dma_start3A_170 = arith.constant 1 : i32
      %dma_start3A_171 = arith.constant 0 : i32
      %dma_start3A_172 = tpu.memref_slice %arg10[%dma_start3A_170, %dma_start3A_171] : memref<4x128xi32, #tpu.memory_space<vmem>> -> memref<1x128xi32, #tpu.memory_space<vmem>>
      %dma_start3A_173 = tpu.memref_squeeze %dma_start3A_172 : memref<1x128xi32, #tpu.memory_space<vmem>> -> memref<128xi32, #tpu.memory_space<vmem>>
      %dma_start3A_174 = arith.constant 0 : i32
      %dma_start3A_175 = arith.constant 0 : i32
      %dma_start3A_176 = tpu.memref_slice %arg16[%dma_start3A_174, %dma_start3A_175] : memref<10112x80xf32, #tpu.memory_space<vmem_shared>> -> memref<10112x80xf32, #tpu.memory_space<vmem_shared>>
      tpu.enqueue_indirect_dma source(%arg12 : memref<128x80xf32, #tpu.memory_space<vmem>>) target(%dma_start3A_176 : memref<10112x80xf32, #tpu.memory_space<vmem_shared>>) offsets(%dma_start3A_173 : memref<128xi32, #tpu.memory_space<vmem>>) semaphore(%arg24 : memref<!tpu.dma_semaphore, #tpu.memory_space<semaphore_mem>>) {add = true}
      %ge3A_177 = arith.constant 2 : i32
      %ge3A_178 = arith.cmpi sge, %add3A_155, %ge3A_177 : i32
      %convert_element_type3A_179 = arith.extui %ge3A_178 : i1 to i32
      %cond3A_180 = arith.constant 0 : i32
      %cond3A_181 = arith.cmpi ne, %convert_element_type3A_179, %cond3A_180 : i32
      scf.if %cond3A_181 {
        %dma_wait3A_252 = arith.constant 0 : i32
        %dma_wait3A_253 = arith.constant 0 : i32
        %dma_wait3A_254 = tpu.memref_slice %arg17[%dma_wait3A_252, %dma_wait3A_253] : memref<10112x64xf32, #tpu.memory_space<vmem_shared>> -> memref<128x64xf32, #tpu.memory_space<vmem_shared>>
        %dma_wait3A_255 = arith.constant 0 : i32
        %dma_wait3A_256 = arith.constant 0 : i32
        %dma_wait3A_257 = tpu.memref_slice %arg17[%dma_wait3A_255, %dma_wait3A_256] : memref<10112x64xf32, #tpu.memory_space<vmem_shared>> -> memref<128x64xf32, #tpu.memory_space<vmem_shared>>
        tpu.wait_dma2 semaphore(%arg26 : memref<!tpu.dma_semaphore, #tpu.memory_space<semaphore_mem>>) src(%arg14 : memref<128x64xf32, #tpu.memory_space<vmem>>) dst(%dma_wait3A_257 : memref<128x64xf32, #tpu.memory_space<vmem_shared>>)
      } else {
      }
      %add3A_182 = arith.constant 2 : i32
      %add3A_183 = arith.addi %add3A_155, %add3A_182 : i32
      %lt3A_184 = arith.constant 160 : i32
      %lt3A_185 = arith.cmpi slt, %add3A_183, %lt3A_184 : i32
      %convert_element_type3A_186 = arith.extui %lt3A_185 : i1 to i32
      %cond3A_187 = arith.constant 0 : i32
      %cond3A_188 = arith.cmpi ne, %convert_element_type3A_186, %cond3A_187 : i32
      scf.if %cond3A_188 {
        %add3A_252 = arith.constant 2 : i32
        %add3A_253 = arith.addi %add3A_155, %add3A_252 : i32
        %dma_start3A_254 = arith.constant 0 : i32
        %dma_start3A_255 = arith.constant 0 : i32
        %dma_start3A_256 = tpu.memref_slice %arg3[%arg0, %arg1, %add3A_253, %dma_start3A_254, %dma_start3A_255] : memref<2x16x160x4x128xi32, #tpu.memory_space<hbm>> -> memref<1x1x1x4x128xi32, #tpu.memory_space<hbm>>
        %dma_start3A_257 = tpu.memref_squeeze %dma_start3A_256 : memref<1x1x1x4x128xi32, #tpu.memory_space<hbm>> -> memref<4x128xi32, #tpu.memory_space<hbm>>
        %dma_start3A_258 = arith.constant 0 : i32
        %dma_start3A_259 = arith.constant 0 : i32
        %dma_start3A_260 = tpu.memref_slice %arg3[%arg0, %arg1, %add3A_253, %dma_start3A_258, %dma_start3A_259] : memref<2x16x160x4x128xi32, #tpu.memory_space<hbm>> -> memref<1x1x1x4x128xi32, #tpu.memory_space<hbm>>
        %dma_start3A_261 = tpu.memref_squeeze %dma_start3A_260 : memref<1x1x1x4x128xi32, #tpu.memory_space<hbm>> -> memref<4x128xi32, #tpu.memory_space<hbm>>
        tpu.enqueue_dma source(%dma_start3A_261 : memref<4x128xi32, #tpu.memory_space<hbm>>) target(%arg8 : memref<4x128xi32, #tpu.memory_space<vmem>>) target_semaphore(%arg18 : memref<!tpu.dma_semaphore, #tpu.memory_space<semaphore_mem>>)
      } else {
      }
      %scan3A_189 = arith.constant 0 : i32
      %scan3A_190 = arith.constant 0 : i32
      %scan3A_191 = arith.constant 128 : i32
      %scan3A_192 = arith.addi %scan3A_190, %scan3A_191 : i32
      %scan3A_193 = arith.constant 1 : i32
      scf.for %scan3A_252 = %scan3A_190 to %scan3A_192 step %scan3A_193  : i32 {
        %get3A = arith.constant 2 : i32
        %get3A_253 = arith.index_cast %get3A : i32 to index
        %get3A_254 = arith.index_cast %scan3A_252 : i32 to index
        %get3A_255 = tpu.vector_load %arg10[%get3A_253, %get3A_254] {strides = array<i32>} : memref<4x128xi32, #tpu.memory_space<vmem>>, vector<16xi32>,
        %bitcast3A = vector.bitcast %get3A_255 : vector<16xi32> to vector<16xf32>
        %slice3A = vector.extract_strided_slice %bitcast3A {offsets = [0], sizes = [1], strides = [1]} : vector<16xf32> to vector<1xf32>
        %squeeze3A = vector.extract %slice3A[0] : f32 from vector<1xf32>
        %get3A_256 = arith.index_cast %scan3A_252 : i32 to index
        %get3A_257 = arith.constant 0 : index
        %get3A_258 = tpu.vector_load %arg12[%get3A_256, %get3A_257] {strides = array<i32>} : memref<128x80xf32, #tpu.memory_space<vmem>>, vector<16xf32>,
        %mul3A_259 = vector.broadcast %squeeze3A : f32 to vector<16xf32>
        %mul3A_260 = arith.mulf %get3A_258, %mul3A_259 : vector<16xf32>
        %swap3A = arith.index_cast %scan3A_252 : i32 to index
        %swap3A_261 = arith.constant 0 : index
        %swap3A_262 = tpu.vector_load %arg14[%swap3A, %swap3A_261] {strides = array<i32>} : memref<128x64xf32, #tpu.memory_space<vmem>>, vector<16xf32>,
        tpu.vector_store %arg14[%swap3A, %swap3A_261], %mul3A_260 {strides = array<i32>} : memref<128x64xf32, #tpu.memory_space<vmem>>, vector<16xf32>,
        %get3A_263 = arith.index_cast %scan3A_252 : i32 to index
        %get3A_264 = arith.constant 16 : index
        %get3A_265 = tpu.vector_load %arg12[%get3A_263, %get3A_264] {strides = array<i32>} : memref<128x80xf32, #tpu.memory_space<vmem>>, vector<16xf32>,
        %mul3A_266 = vector.broadcast %squeeze3A : f32 to vector<16xf32>
        %mul3A_267 = arith.mulf %get3A_265, %mul3A_266 : vector<16xf32>
        %swap3A_268 = arith.index_cast %scan3A_252 : i32 to index
        %swap3A_269 = arith.constant 16 : index
        %swap3A_270 = tpu.vector_load %arg14[%swap3A_268, %swap3A_269] {strides = array<i32>} : memref<128x64xf32, #tpu.memory_space<vmem>>, vector<16xf32>,
        tpu.vector_store %arg14[%swap3A_268, %swap3A_269], %mul3A_267 {strides = array<i32>} : memref<128x64xf32, #tpu.memory_space<vmem>>, vector<16xf32>,
        %get3A_271 = arith.index_cast %scan3A_252 : i32 to index
        %get3A_272 = arith.constant 32 : index
        %get3A_273 = tpu.vector_load %arg12[%get3A_271, %get3A_272] {strides = array<i32>} : memref<128x80xf32, #tpu.memory_space<vmem>>, vector<16xf32>,
        %mul3A_274 = vector.broadcast %squeeze3A : f32 to vector<16xf32>
        %mul3A_275 = arith.mulf %get3A_273, %mul3A_274 : vector<16xf32>
        %swap3A_276 = arith.index_cast %scan3A_252 : i32 to index
        %swap3A_277 = arith.constant 32 : index
        %swap3A_278 = tpu.vector_load %arg14[%swap3A_276, %swap3A_277] {strides = array<i32>} : memref<128x64xf32, #tpu.memory_space<vmem>>, vector<16xf32>,
        tpu.vector_store %arg14[%swap3A_276, %swap3A_277], %mul3A_275 {strides = array<i32>} : memref<128x64xf32, #tpu.memory_space<vmem>>, vector<16xf32>,
        %get3A_279 = arith.index_cast %scan3A_252 : i32 to index
        %get3A_280 = arith.constant 48 : index
        %get3A_281 = tpu.vector_load %arg12[%get3A_279, %get3A_280] {strides = array<i32>} : memref<128x80xf32, #tpu.memory_space<vmem>>, vector<16xf32>,
        %mul3A_282 = vector.broadcast %squeeze3A : f32 to vector<16xf32>
        %mul3A_283 = arith.mulf %get3A_281, %mul3A_282 : vector<16xf32>
        %swap3A_284 = arith.index_cast %scan3A_252 : i32 to index
        %swap3A_285 = arith.constant 48 : index
        %swap3A_286 = tpu.vector_load %arg14[%swap3A_284, %swap3A_285] {strides = array<i32>} : memref<128x64xf32, #tpu.memory_space<vmem>>, vector<16xf32>,
        tpu.vector_store %arg14[%swap3A_284, %swap3A_285], %mul3A_283 {strides = array<i32>} : memref<128x64xf32, #tpu.memory_space<vmem>>, vector<16xf32>,
      }
      %scan3A_194 = arith.constant 128 : i32
      %dma_start3A_195 = arith.constant 1 : i32
      %dma_start3A_196 = arith.constant 0 : i32
      %dma_start3A_197 = tpu.memref_slice %arg10[%dma_start3A_195, %dma_start3A_196] : memref<4x128xi32, #tpu.memory_space<vmem>> -> memref<1x128xi32, #tpu.memory_space<vmem>>
      %dma_start3A_198 = tpu.memref_squeeze %dma_start3A_197 : memref<1x128xi32, #tpu.memory_space<vmem>> -> memref<128xi32, #tpu.memory_space<vmem>>
      %dma_start3A_199 = arith.constant 0 : i32
      %dma_start3A_200 = arith.constant 0 : i32
      %dma_start3A_201 = tpu.memref_slice %arg17[%dma_start3A_199, %dma_start3A_200] : memref<10112x64xf32, #tpu.memory_space<vmem_shared>> -> memref<10112x64xf32, #tpu.memory_space<vmem_shared>>
      tpu.enqueue_indirect_dma source(%arg14 : memref<128x64xf32, #tpu.memory_space<vmem>>) target(%dma_start3A_201 : memref<10112x64xf32, #tpu.memory_space<vmem_shared>>) offsets(%dma_start3A_198 : memref<128xi32, #tpu.memory_space<vmem>>) semaphore(%arg26 : memref<!tpu.dma_semaphore, #tpu.memory_space<semaphore_mem>>) {add = true}
      %mul3A_202 = arith.constant 4 : i32
      %mul3A_203 = arith.muli %mul3A_202, %scan3A_55 : i32
      %add3A_204 = arith.constant 3 : i32
      %add3A_205 = arith.addi %mul3A_203, %add3A_204 : i32
      %add3A_206 = arith.constant 1 : i32
      %add3A_207 = arith.addi %add3A_205, %add3A_206 : i32
      %lt3A_208 = arith.constant 160 : i32
      %lt3A_209 = arith.cmpi slt, %add3A_207, %lt3A_208 : i32
      %convert_element_type3A_210 = arith.extui %lt3A_209 : i1 to i32
      %cond3A_211 = arith.constant 0 : i32
      %cond3A_212 = arith.cmpi ne, %convert_element_type3A_210, %cond3A_211 : i32
      scf.if %cond3A_212 {
        %ge3A_252 = arith.constant 1 : i32
        %ge3A_253 = arith.cmpi sge, %add3A_205, %ge3A_252 : i32
        %convert_element_type3A_254 = arith.extui %ge3A_253 : i1 to i32
        %cond3A_255 = arith.constant 0 : i32
        %cond3A_256 = arith.cmpi ne, %convert_element_type3A_254, %cond3A_255 : i32
        scf.if %cond3A_256 {
          %dma_wait3A_273 = arith.constant 0 : i32
          %dma_wait3A_274 = arith.constant 0 : i32
          %dma_wait3A_275 = tpu.memref_slice %arg16[%dma_wait3A_273, %dma_wait3A_274] : memref<10112x80xf32, #tpu.memory_space<vmem_shared>> -> memref<128x80xf32, #tpu.memory_space<vmem_shared>>
          %dma_wait3A_276 = arith.constant 0 : i32
          %dma_wait3A_277 = arith.constant 0 : i32
          %dma_wait3A_278 = tpu.memref_slice %arg16[%dma_wait3A_276, %dma_wait3A_277] : memref<10112x80xf32, #tpu.memory_space<vmem_shared>> -> memref<128x80xf32, #tpu.memory_space<vmem_shared>>
          tpu.wait_dma2 semaphore(%arg24 : memref<!tpu.dma_semaphore, #tpu.memory_space<semaphore_mem>>) src(%arg12 : memref<128x80xf32, #tpu.memory_space<vmem>>) dst(%dma_wait3A_278 : memref<128x80xf32, #tpu.memory_space<vmem_shared>>)
        } else {
        }
        %dma_wait3A_257 = arith.constant 0 : i32
        %dma_wait3A_258 = arith.constant 0 : i32
        %dma_wait3A_259 = arith.constant 0 : i32
        %dma_wait3A_260 = tpu.memref_slice %arg3[%arg0, %arg1, %dma_wait3A_257, %dma_wait3A_258, %dma_wait3A_259] : memref<2x16x160x4x128xi32, #tpu.memory_space<hbm>> -> memref<1x1x1x4x128xi32, #tpu.memory_space<hbm>>
        %dma_wait3A_261 = tpu.memref_squeeze %dma_wait3A_260 : memref<1x1x1x4x128xi32, #tpu.memory_space<hbm>> -> memref<4x128xi32, #tpu.memory_space<hbm>>
        %dma_wait3A_262 = arith.constant 0 : i32
        %dma_wait3A_263 = arith.constant 0 : i32
        %dma_wait3A_264 = tpu.memref_slice %arg3[%arg0, %arg1, %dma_wait3A_257, %dma_wait3A_262, %dma_wait3A_263] : memref<2x16x160x4x128xi32, #tpu.memory_space<hbm>> -> memref<1x1x1x4x128xi32, #tpu.memory_space<hbm>>
        %dma_wait3A_265 = tpu.memref_squeeze %dma_wait3A_264 : memref<1x1x1x4x128xi32, #tpu.memory_space<hbm>> -> memref<4x128xi32, #tpu.memory_space<hbm>>
        tpu.wait_dma2 semaphore(%arg18 : memref<!tpu.dma_semaphore, #tpu.memory_space<semaphore_mem>>) src(%dma_wait3A_265 : memref<4x128xi32, #tpu.memory_space<hbm>>) dst(%arg8 : memref<4x128xi32, #tpu.memory_space<vmem>>)
        %dma_start3A_266 = arith.constant 0 : i32
        %dma_start3A_267 = arith.constant 0 : i32
        %dma_start3A_268 = tpu.memref_slice %arg8[%dma_start3A_266, %dma_start3A_267] : memref<4x128xi32, #tpu.memory_space<vmem>> -> memref<1x128xi32, #tpu.memory_space<vmem>>
        %dma_start3A_269 = tpu.memref_squeeze %dma_start3A_268 : memref<1x128xi32, #tpu.memory_space<vmem>> -> memref<128xi32, #tpu.memory_space<vmem>>
        %dma_start3A_270 = arith.constant 0 : i32
        %dma_start3A_271 = arith.constant 0 : i32
        %dma_start3A_272 = tpu.memref_slice %arg2[%dma_start3A_270, %dma_start3A_271] : memref<20000x80xf32, #tpu.memory_space<hbm>> -> memref<20000x80xf32, #tpu.memory_space<hbm>>
        tpu.enqueue_indirect_dma source(%dma_start3A_272 : memref<20000x80xf32, #tpu.memory_space<hbm>>) target(%arg12 : memref<128x80xf32, #tpu.memory_space<vmem>>) offsets(%dma_start3A_269 : memref<128xi32, #tpu.memory_space<vmem>>) semaphore(%arg22 : memref<!tpu.dma_semaphore, #tpu.memory_space<semaphore_mem>>)
      } else {
      }
      %dma_wait3A_213 = arith.constant 0 : i32
      %dma_wait3A_214 = arith.constant 0 : i32
      %dma_wait3A_215 = tpu.memref_slice %arg11[%dma_wait3A_213, %dma_wait3A_214] : memref<4x128xi32, #tpu.memory_space<vmem>> -> memref<1x128xi32, #tpu.memory_space<vmem>>
      %dma_wait3A_216 = tpu.memref_squeeze %dma_wait3A_215 : memref<1x128xi32, #tpu.memory_space<vmem>> -> memref<128xi32, #tpu.memory_space<vmem>>
      %dma_wait3A_217 = arith.constant 0 : i32
      %dma_wait3A_218 = arith.constant 0 : i32
      %dma_wait3A_219 = tpu.memref_slice %arg2[%dma_wait3A_217, %dma_wait3A_218] : memref<20000x80xf32, #tpu.memory_space<hbm>> -> memref<20000x80xf32, #tpu.memory_space<hbm>>
      tpu.wait_indirect_dma semaphore(%arg23 : memref<!tpu.dma_semaphore, #tpu.memory_space<semaphore_mem>>) src(%dma_wait3A_219 : memref<20000x80xf32, #tpu.memory_space<hbm>>) dst(%arg13 : memref<128x80xf32, #tpu.memory_space<vmem>>)
      %dma_start3A_220 = arith.constant 1 : i32
      %dma_start3A_221 = arith.constant 0 : i32
      %dma_start3A_222 = tpu.memref_slice %arg11[%dma_start3A_220, %dma_start3A_221] : memref<4x128xi32, #tpu.memory_space<vmem>> -> memref<1x128xi32, #tpu.memory_space<vmem>>
      %dma_start3A_223 = tpu.memref_squeeze %dma_start3A_222 : memref<1x128xi32, #tpu.memory_space<vmem>> -> memref<128xi32, #tpu.memory_space<vmem>>
      %dma_start3A_224 = arith.constant 0 : i32
      %dma_start3A_225 = arith.constant 0 : i32
      %dma_start3A_226 = tpu.memref_slice %arg16[%dma_start3A_224, %dma_start3A_225] : memref<10112x80xf32, #tpu.memory_space<vmem_shared>> -> memref<10112x80xf32, #tpu.memory_space<vmem_shared>>
      tpu.enqueue_indirect_dma source(%arg13 : memref<128x80xf32, #tpu.memory_space<vmem>>) target(%dma_start3A_226 : memref<10112x80xf32, #tpu.memory_space<vmem_shared>>) offsets(%dma_start3A_223 : memref<128xi32, #tpu.memory_space<vmem>>) semaphore(%arg25 : memref<!tpu.dma_semaphore, #tpu.memory_space<semaphore_mem>>) {add = true}
      %ge3A_227 = arith.constant 2 : i32
      %ge3A_228 = arith.cmpi sge, %add3A_205, %ge3A_227 : i32
      %convert_element_type3A_229 = arith.extui %ge3A_228 : i1 to i32
      %cond3A_230 = arith.constant 0 : i32
      %cond3A_231 = arith.cmpi ne, %convert_element_type3A_229, %cond3A_230 : i32
      scf.if %cond3A_231 {
        %dma_wait3A_252 = arith.constant 0 : i32
        %dma_wait3A_253 = arith.constant 0 : i32
        %dma_wait3A_254 = tpu.memref_slice %arg17[%dma_wait3A_252, %dma_wait3A_253] : memref<10112x64xf32, #tpu.memory_space<vmem_shared>> -> memref<128x64xf32, #tpu.memory_space<vmem_shared>>
        %dma_wait3A_255 = arith.constant 0 : i32
        %dma_wait3A_256 = arith.constant 0 : i32
        %dma_wait3A_257 = tpu.memref_slice %arg17[%dma_wait3A_255, %dma_wait3A_256] : memref<10112x64xf32, #tpu.memory_space<vmem_shared>> -> memref<128x64xf32, #tpu.memory_space<vmem_shared>>
        tpu.wait_dma2 semaphore(%arg27 : memref<!tpu.dma_semaphore, #tpu.memory_space<semaphore_mem>>) src(%arg15 : memref<128x64xf32, #tpu.memory_space<vmem>>) dst(%dma_wait3A_257 : memref<128x64xf32, #tpu.memory_space<vmem_shared>>)
      } else {
      }
      %add3A_232 = arith.constant 2 : i32
      %add3A_233 = arith.addi %add3A_205, %add3A_232 : i32
      %lt3A_234 = arith.constant 160 : i32
      %lt3A_235 = arith.cmpi slt, %add3A_233, %lt3A_234 : i32
      %convert_element_type3A_236 = arith.extui %lt3A_235 : i1 to i32
      %cond3A_237 = arith.constant 0 : i32
      %cond3A_238 = arith.cmpi ne, %convert_element_type3A_236, %cond3A_237 : i32
      scf.if %cond3A_238 {
        %add3A_252 = arith.constant 2 : i32
        %add3A_253 = arith.addi %add3A_205, %add3A_252 : i32
        %dma_start3A_254 = arith.constant 0 : i32
        %dma_start3A_255 = arith.constant 0 : i32
        %dma_start3A_256 = tpu.memref_slice %arg3[%arg0, %arg1, %add3A_253, %dma_start3A_254, %dma_start3A_255] : memref<2x16x160x4x128xi32, #tpu.memory_space<hbm>> -> memref<1x1x1x4x128xi32, #tpu.memory_space<hbm>>
        %dma_start3A_257 = tpu.memref_squeeze %dma_start3A_256 : memref<1x1x1x4x128xi32, #tpu.memory_space<hbm>> -> memref<4x128xi32, #tpu.memory_space<hbm>>
        %dma_start3A_258 = arith.constant 0 : i32
        %dma_start3A_259 = arith.constant 0 : i32
        %dma_start3A_260 = tpu.memref_slice %arg3[%arg0, %arg1, %add3A_253, %dma_start3A_258, %dma_start3A_259] : memref<2x16x160x4x128xi32, #tpu.memory_space<hbm>> -> memref<1x1x1x4x128xi32, #tpu.memory_space<hbm>>
        %dma_start3A_261 = tpu.memref_squeeze %dma_start3A_260 : memref<1x1x1x4x128xi32, #tpu.memory_space<hbm>> -> memref<4x128xi32, #tpu.memory_space<hbm>>
        tpu.enqueue_dma source(%dma_start3A_261 : memref<4x128xi32, #tpu.memory_space<hbm>>) target(%arg9 : memref<4x128xi32, #tpu.memory_space<vmem>>) target_semaphore(%arg19 : memref<!tpu.dma_semaphore, #tpu.memory_space<semaphore_mem>>)
      } else {
      }
      %scan3A_239 = arith.constant 0 : i32
      %scan3A_240 = arith.constant 0 : i32
      %scan3A_241 = arith.constant 128 : i32
      %scan3A_242 = arith.addi %scan3A_240, %scan3A_241 : i32
      %scan3A_243 = arith.constant 1 : i32
      scf.for %scan3A_252 = %scan3A_240 to %scan3A_242 step %scan3A_243  : i32 {
        %get3A = arith.constant 2 : i32
        %get3A_253 = arith.index_cast %get3A : i32 to index
        %get3A_254 = arith.index_cast %scan3A_252 : i32 to index
        %get3A_255 = tpu.vector_load %arg11[%get3A_253, %get3A_254] {strides = array<i32>} : memref<4x128xi32, #tpu.memory_space<vmem>>, vector<16xi32>,
        %bitcast3A = vector.bitcast %get3A_255 : vector<16xi32> to vector<16xf32>
        %slice3A = vector.extract_strided_slice %bitcast3A {offsets = [0], sizes = [1], strides = [1]} : vector<16xf32> to vector<1xf32>
        %squeeze3A = vector.extract %slice3A[0] : f32 from vector<1xf32>
        %get3A_256 = arith.index_cast %scan3A_252 : i32 to index
        %get3A_257 = arith.constant 0 : index
        %get3A_258 = tpu.vector_load %arg13[%get3A_256, %get3A_257] {strides = array<i32>} : memref<128x80xf32, #tpu.memory_space<vmem>>, vector<16xf32>,
        %mul3A_259 = vector.broadcast %squeeze3A : f32 to vector<16xf32>
        %mul3A_260 = arith.mulf %get3A_258, %mul3A_259 : vector<16xf32>
        %swap3A = arith.index_cast %scan3A_252 : i32 to index
        %swap3A_261 = arith.constant 0 : index
        %swap3A_262 = tpu.vector_load %arg15[%swap3A, %swap3A_261] {strides = array<i32>} : memref<128x64xf32, #tpu.memory_space<vmem>>, vector<16xf32>,
        tpu.vector_store %arg15[%swap3A, %swap3A_261], %mul3A_260 {strides = array<i32>} : memref<128x64xf32, #tpu.memory_space<vmem>>, vector<16xf32>,
        %get3A_263 = arith.index_cast %scan3A_252 : i32 to index
        %get3A_264 = arith.constant 16 : index
        %get3A_265 = tpu.vector_load %arg13[%get3A_263, %get3A_264] {strides = array<i32>} : memref<128x80xf32, #tpu.memory_space<vmem>>, vector<16xf32>,
        %mul3A_266 = vector.broadcast %squeeze3A : f32 to vector<16xf32>
        %mul3A_267 = arith.mulf %get3A_265, %mul3A_266 : vector<16xf32>
        %swap3A_268 = arith.index_cast %scan3A_252 : i32 to index
        %swap3A_269 = arith.constant 16 : index
        %swap3A_270 = tpu.vector_load %arg15[%swap3A_268, %swap3A_269] {strides = array<i32>} : memref<128x64xf32, #tpu.memory_space<vmem>>, vector<16xf32>,
        tpu.vector_store %arg15[%swap3A_268, %swap3A_269], %mul3A_267 {strides = array<i32>} : memref<128x64xf32, #tpu.memory_space<vmem>>, vector<16xf32>,
        %get3A_271 = arith.index_cast %scan3A_252 : i32 to index
        %get3A_272 = arith.constant 32 : index
        %get3A_273 = tpu.vector_load %arg13[%get3A_271, %get3A_272] {strides = array<i32>} : memref<128x80xf32, #tpu.memory_space<vmem>>, vector<16xf32>,
        %mul3A_274 = vector.broadcast %squeeze3A : f32 to vector<16xf32>
        %mul3A_275 = arith.mulf %get3A_273, %mul3A_274 : vector<16xf32>
        %swap3A_276 = arith.index_cast %scan3A_252 : i32 to index
        %swap3A_277 = arith.constant 32 : index
        %swap3A_278 = tpu.vector_load %arg15[%swap3A_276, %swap3A_277] {strides = array<i32>} : memref<128x64xf32, #tpu.memory_space<vmem>>, vector<16xf32>,
        tpu.vector_store %arg15[%swap3A_276, %swap3A_277], %mul3A_275 {strides = array<i32>} : memref<128x64xf32, #tpu.memory_space<vmem>>, vector<16xf32>,
        %get3A_279 = arith.index_cast %scan3A_252 : i32 to index
        %get3A_280 = arith.constant 48 : index
        %get3A_281 = tpu.vector_load %arg13[%get3A_279, %get3A_280] {strides = array<i32>} : memref<128x80xf32, #tpu.memory_space<vmem>>, vector<16xf32>,
        %mul3A_282 = vector.broadcast %squeeze3A : f32 to vector<16xf32>
        %mul3A_283 = arith.mulf %get3A_281, %mul3A_282 : vector<16xf32>
        %swap3A_284 = arith.index_cast %scan3A_252 : i32 to index
        %swap3A_285 = arith.constant 48 : index
        %swap3A_286 = tpu.vector_load %arg15[%swap3A_284, %swap3A_285] {strides = array<i32>} : memref<128x64xf32, #tpu.memory_space<vmem>>, vector<16xf32>,
        tpu.vector_store %arg15[%swap3A_284, %swap3A_285], %mul3A_283 {strides = array<i32>} : memref<128x64xf32, #tpu.memory_space<vmem>>, vector<16xf32>,
      }
      %scan3A_244 = arith.constant 128 : i32
      %dma_start3A_245 = arith.constant 1 : i32
      %dma_start3A_246 = arith.constant 0 : i32
      %dma_start3A_247 = tpu.memref_slice %arg11[%dma_start3A_245, %dma_start3A_246] : memref<4x128xi32, #tpu.memory_space<vmem>> -> memref<1x128xi32, #tpu.memory_space<vmem>>
      %dma_start3A_248 = tpu.memref_squeeze %dma_start3A_247 : memref<1x128xi32, #tpu.memory_space<vmem>> -> memref<128xi32, #tpu.memory_space<vmem>>
      %dma_start3A_249 = arith.constant 0 : i32
      %dma_start3A_250 = arith.constant 0 : i32
      %dma_start3A_251 = tpu.memref_slice %arg17[%dma_start3A_249, %dma_start3A_250] : memref<10112x64xf32, #tpu.memory_space<vmem_shared>> -> memref<10112x64xf32, #tpu.memory_space<vmem_shared>>
      tpu.enqueue_indirect_dma source(%arg15 : memref<128x64xf32, #tpu.memory_space<vmem>>) target(%dma_start3A_251 : memref<10112x64xf32, #tpu.memory_space<vmem_shared>>) offsets(%dma_start3A_248 : memref<128xi32, #tpu.memory_space<vmem>>) semaphore(%arg27 : memref<!tpu.dma_semaphore, #tpu.memory_space<semaphore_mem>>) {add = true}
    }
    %scan3A_22 = arith.constant 40 : i32
    %dma_wait3A = arith.constant 0 : i32
    %dma_wait3A_23 = arith.constant 0 : i32
    %dma_wait3A_24 = tpu.memref_slice %arg16[%dma_wait3A, %dma_wait3A_23] : memref<10112x80xf32, #tpu.memory_space<vmem_shared>> -> memref<128x80xf32, #tpu.memory_space<vmem_shared>>
    %dma_wait3A_25 = arith.constant 0 : i32
    %dma_wait3A_26 = arith.constant 0 : i32
    %dma_wait3A_27 = tpu.memref_slice %arg16[%dma_wait3A_25, %dma_wait3A_26] : memref<10112x80xf32, #tpu.memory_space<vmem_shared>> -> memref<128x80xf32, #tpu.memory_space<vmem_shared>>
    tpu.wait_dma2 semaphore(%arg24 : memref<!tpu.dma_semaphore, #tpu.memory_space<semaphore_mem>>) src(%arg12 : memref<128x80xf32, #tpu.memory_space<vmem>>) dst(%dma_wait3A_27 : memref<128x80xf32, #tpu.memory_space<vmem_shared>>)
    %dma_wait3A_28 = arith.constant 0 : i32
    %dma_wait3A_29 = arith.constant 0 : i32
    %dma_wait3A_30 = tpu.memref_slice %arg16[%dma_wait3A_28, %dma_wait3A_29] : memref<10112x80xf32, #tpu.memory_space<vmem_shared>> -> memref<128x80xf32, #tpu.memory_space<vmem_shared>>
    %dma_wait3A_31 = arith.constant 0 : i32
    %dma_wait3A_32 = arith.constant 0 : i32
    %dma_wait3A_33 = tpu.memref_slice %arg16[%dma_wait3A_31, %dma_wait3A_32] : memref<10112x80xf32, #tpu.memory_space<vmem_shared>> -> memref<128x80xf32, #tpu.memory_space<vmem_shared>>
    tpu.wait_dma2 semaphore(%arg25 : memref<!tpu.dma_semaphore, #tpu.memory_space<semaphore_mem>>) src(%arg13 : memref<128x80xf32, #tpu.memory_space<vmem>>) dst(%dma_wait3A_33 : memref<128x80xf32, #tpu.memory_space<vmem_shared>>)
    %dma_wait3A_34 = arith.constant 0 : i32
    %dma_wait3A_35 = arith.constant 0 : i32
    %dma_wait3A_36 = tpu.memref_slice %arg17[%dma_wait3A_34, %dma_wait3A_35] : memref<10112x64xf32, #tpu.memory_space<vmem_shared>> -> memref<128x64xf32, #tpu.memory_space<vmem_shared>>
    %dma_wait3A_37 = arith.constant 0 : i32
    %dma_wait3A_38 = arith.constant 0 : i32
    %dma_wait3A_39 = tpu.memref_slice %arg17[%dma_wait3A_37, %dma_wait3A_38] : memref<10112x64xf32, #tpu.memory_space<vmem_shared>> -> memref<128x64xf32, #tpu.memory_space<vmem_shared>>
    tpu.wait_dma2 semaphore(%arg26 : memref<!tpu.dma_semaphore, #tpu.memory_space<semaphore_mem>>) src(%arg14 : memref<128x64xf32, #tpu.memory_space<vmem>>) dst(%dma_wait3A_39 : memref<128x64xf32, #tpu.memory_space<vmem_shared>>)
    %dma_wait3A_40 = arith.constant 0 : i32
    %dma_wait3A_41 = arith.constant 0 : i32
    %dma_wait3A_42 = tpu.memref_slice %arg17[%dma_wait3A_40, %dma_wait3A_41] : memref<10112x64xf32, #tpu.memory_space<vmem_shared>> -> memref<128x64xf32, #tpu.memory_space<vmem_shared>>
    %dma_wait3A_43 = arith.constant 0 : i32
    %dma_wait3A_44 = arith.constant 0 : i32
    %dma_wait3A_45 = tpu.memref_slice %arg17[%dma_wait3A_43, %dma_wait3A_44] : memref<10112x64xf32, #tpu.memory_space<vmem_shared>> -> memref<128x64xf32, #tpu.memory_space<vmem_shared>>
    tpu.wait_dma2 semaphore(%arg27 : memref<!tpu.dma_semaphore, #tpu.memory_space<semaphore_mem>>) src(%arg15 : memref<128x64xf32, #tpu.memory_space<vmem>>) dst(%dma_wait3A_45 : memref<128x64xf32, #tpu.memory_space<vmem_shared>>)
    %barrier3A_46 = arith.constant 0 : index
    tpu.barrier barrier_id(%barrier3A_46)
    %mul3A_47 = arith.constant 10112 : i32
    %mul3A_48 = arith.muli %arg0, %mul3A_47 : i32
    %mul3A_49 = arith.constant 632 : i32
    %mul3A_50 = arith.muli %arg1, %mul3A_49 : i32
    %add3A = arith.addi %mul3A_48, %mul3A_50 : i32
    %mul3A_51 = arith.constant 632 : i32
    %mul3A_52 = arith.muli %arg1, %mul3A_51 : i32
    "tpu.region"() ({
      %run_scoped3A_55 = tpu.sem_alloc : memref<!tpu.dma_semaphore, #tpu.memory_space<semaphore_mem>>
      %dma_start3A_56 = arith.constant 0 : i32
      %dma_start3A_57 = tpu.memref_slice %arg6[%add3A, %dma_start3A_56] : memref<20224x80xf32, #tpu.memory_space<hbm>> -> memref<632x80xf32, #tpu.memory_space<hbm>>
      %dma_start3A_58 = arith.constant 0 : i32
      %dma_start3A_59 = tpu.memref_slice %arg16[%mul3A_52, %dma_start3A_58] : memref<10112x80xf32, #tpu.memory_space<vmem_shared>> -> memref<632x80xf32, #tpu.memory_space<vmem_shared>>
      tpu.enqueue_dma source(%dma_start3A_59 : memref<632x80xf32, #tpu.memory_space<vmem_shared>>) target(%dma_start3A_57 : memref<632x80xf32, #tpu.memory_space<hbm>>) target_semaphore(%run_scoped3A_55 : memref<!tpu.dma_semaphore, #tpu.memory_space<semaphore_mem>>)
      %dma_wait3A_60 = arith.constant 0 : i32
      %dma_wait3A_61 = tpu.memref_slice %arg6[%add3A, %dma_wait3A_60] : memref<20224x80xf32, #tpu.memory_space<hbm>> -> memref<632x80xf32, #tpu.memory_space<hbm>>
      %dma_wait3A_62 = arith.constant 0 : i32
      %dma_wait3A_63 = tpu.memref_slice %arg16[%mul3A_52, %dma_wait3A_62] : memref<10112x80xf32, #tpu.memory_space<vmem_shared>> -> memref<632x80xf32, #tpu.memory_space<vmem_shared>>
      tpu.wait_dma2 semaphore(%run_scoped3A_55 : memref<!tpu.dma_semaphore, #tpu.memory_space<semaphore_mem>>) src(%dma_wait3A_63 : memref<632x80xf32, #tpu.memory_space<vmem_shared>>) dst(%dma_wait3A_61 : memref<632x80xf32, #tpu.memory_space<hbm>>)
      tpu.yield
    }) : () -> ()
    %mul3A_53 = arith.constant 632 : i32
    %mul3A_54 = arith.muli %arg1, %mul3A_53 : i32
    "tpu.region"() ({
      %run_scoped3A_55 = tpu.sem_alloc : memref<!tpu.dma_semaphore, #tpu.memory_space<semaphore_mem>>
      %dma_start3A_56 = arith.constant 0 : i32
      %dma_start3A_57 = tpu.memref_slice %arg7[%add3A, %dma_start3A_56] : memref<20224x64xf32, #tpu.memory_space<hbm>> -> memref<632x64xf32, #tpu.memory_space<hbm>>
      %dma_start3A_58 = arith.constant 0 : i32
      %dma_start3A_59 = tpu.memref_slice %arg17[%mul3A_54, %dma_start3A_58] : memref<10112x64xf32, #tpu.memory_space<vmem_shared>> -> memref<632x64xf32, #tpu.memory_space<vmem_shared>>
      tpu.enqueue_dma source(%dma_start3A_59 : memref<632x64xf32, #tpu.memory_space<vmem_shared>>) target(%dma_start3A_57 : memref<632x64xf32, #tpu.memory_space<hbm>>) target_semaphore(%run_scoped3A_55 : memref<!tpu.dma_semaphore, #tpu.memory_space<semaphore_mem>>)
      %dma_wait3A_60 = arith.constant 0 : i32
      %dma_wait3A_61 = tpu.memref_slice %arg7[%add3A, %dma_wait3A_60] : memref<20224x64xf32, #tpu.memory_space<hbm>> -> memref<632x64xf32, #tpu.memory_space<hbm>>
      %dma_wait3A_62 = arith.constant 0 : i32
      %dma_wait3A_63 = tpu.memref_slice %arg17[%mul3A_54, %dma_wait3A_62] : memref<10112x64xf32, #tpu.memory_space<vmem_shared>> -> memref<632x64xf32, #tpu.memory_space<vmem_shared>>
      tpu.wait_dma2 semaphore(%run_scoped3A_55 : memref<!tpu.dma_semaphore, #tpu.memory_space<semaphore_mem>>) src(%dma_wait3A_63 : memref<632x64xf32, #tpu.memory_space<vmem_shared>>) dst(%dma_wait3A_61 : memref<632x64xf32, #tpu.memory_space<hbm>>)
      tpu.yield
    }) : () -> ()
    return
  }
}

module attributes {stable_mosaic.version = 14 : i64} {
  func.func @tc_body(%arg0: i32, %arg1: memref<632x80xf32, #tpu.memory_space<vmem>>, %arg2: memref<632x80xf32, #tpu.memory_space<vmem>>, %arg3: memref<632x64xf32, #tpu.memory_space<vmem>>, %arg4: memref<632x64xf32, #tpu.memory_space<vmem>>, %arg5: memref<632x128xf32, #tpu.memory_space<vmem>>, %arg6: memref<2x128x128xf32, #tpu.memory_space<vmem>>, %arg7: memref<128x128xf32, #tpu.memory_space<vmem>>, %arg8: memref<1x128xf32, #tpu.memory_space<vmem>>, %arg9: memref<632x128xf32, #tpu.memory_space<vmem>>) attributes {dimension_semantics = [#tpu.dimension_semantics<arbitrary>], iteration_bounds = array<i64: 16>, scalar_prefetch = 0 : i64, scratch_operands = 0 : i64, tpu.core_type = #tpu.core_type<tc>, window_params = [{transform_indices = @transform_0, window_bounds = array<i64: 632, 80>}, {transform_indices = @transform_1, window_bounds = array<i64: 632, 80>}, {transform_indices = @transform_2, window_bounds = array<i64: 632, 64>}, {transform_indices = @transform_3, window_bounds = array<i64: 632, 64>}, {transform_indices = @transform_4, window_bounds = array<i64: 632, 128>}, {pipeline_mode = #tpu.pipeline_mode<synchronous>, transform_indices = @transform_5, window_bounds = array<i64: 2, 128, 128>}, {pipeline_mode = #tpu.pipeline_mode<synchronous>, transform_indices = @transform_6, window_bounds = array<i64: 128, 128>}, {pipeline_mode = #tpu.pipeline_mode<synchronous>, transform_indices = @transform_7, window_bounds = array<i64: 1, 128>}, {transform_indices = @transform_8, window_bounds = array<i64: 632, 128>}]} {
    %get3A = arith.constant 0 : index
    %get3A_0 = arith.constant 0 : index
    %get3A_1 = vector.load %arg1[%get3A, %get3A_0] : memref<632x80xf32, #tpu.memory_space<vmem>>, vector<632x64xf32>
    %get3A_2 = arith.constant 0 : index
    %get3A_3 = arith.constant 0 : index
    %get3A_4 = vector.load %arg2[%get3A_2, %get3A_3] : memref<632x80xf32, #tpu.memory_space<vmem>>, vector<632x64xf32>
    %concatenate3A = tpu.concatenate %get3A_1, %get3A_4 in 1 : vector<632x64xf32>, vector<632x64xf32> -> vector<632x128xf32>
    %get3A_5 = arith.constant 0 : index
    %get3A_6 = arith.constant 0 : index
    %get3A_7 = vector.load %arg3[%get3A_5, %get3A_6] : memref<632x64xf32, #tpu.memory_space<vmem>>, vector<632x64xf32>
    %get3A_8 = arith.constant 0 : index
    %get3A_9 = arith.constant 0 : index
    %get3A_10 = vector.load %arg4[%get3A_8, %get3A_9] : memref<632x64xf32, #tpu.memory_space<vmem>>, vector<632x64xf32>
    %concatenate3A_11 = tpu.concatenate %get3A_7, %get3A_10 in 1 : vector<632x64xf32>, vector<632x64xf32> -> vector<632x128xf32>
    %get3A_12 = arith.constant 0 : index
    %get3A_13 = arith.constant 64 : index
    %get3A_14 = vector.load %arg2[%get3A_12, %get3A_13] : memref<632x80xf32, #tpu.memory_space<vmem>>, vector<632x1xf32>
    %get3A_15 = arith.constant 0 : index
    %get3A_16 = arith.constant 0 : index
    %get3A_17 = arith.constant 0 : index
    %get3A_18 = vector.load %arg6[%get3A_15, %get3A_16, %get3A_17] : memref<2x128x128xf32, #tpu.memory_space<vmem>>, vector<1x128x128xf32>
    %get3A_19 = vector.shape_cast %get3A_18 : vector<1x128x128xf32> to vector<128x128xf32>
    %get3A_20 = arith.constant 1 : index
    %get3A_21 = arith.constant 0 : index
    %get3A_22 = arith.constant 0 : index
    %get3A_23 = vector.load %arg6[%get3A_20, %get3A_21, %get3A_22] : memref<2x128x128xf32, #tpu.memory_space<vmem>>, vector<1x128x128xf32>
    %get3A_24 = vector.shape_cast %get3A_23 : vector<1x128x128xf32> to vector<128x128xf32>
    %get3A_25 = arith.constant 0 : index
    %get3A_26 = arith.constant 0 : index
    %get3A_27 = arith.constant 0 : index
    %get3A_28 = vector.load %arg6[%get3A_25, %get3A_26, %get3A_27] : memref<2x128x128xf32, #tpu.memory_space<vmem>>, vector<1x128x128xf32>
    %get3A_29 = vector.shape_cast %get3A_28 : vector<1x128x128xf32> to vector<128x128xf32>
    %sub3A = arith.subf %get3A_24, %get3A_29 : vector<128x128xf32>
    %dot_general3A = arith.constant dense<0.000000e+00> : vector<632x128xf32>
    %dot_general3A_30 = tpu.matmul %concatenate3A, %get3A_19, %dot_general3A {dimension_numbers = #tpu.dot_dimension_numbers<[1], [0], [0], [1], [0, 0, 1, 1], [], []>, transpose_lhs_hint = false} : vector<632x128xf32>, vector<128x128xf32>, vector<632x128xf32> -> vector<632x128xf32>
    %dot_general3A_31 = arith.constant dense<0.000000e+00> : vector<632x128xf32>
    %dot_general3A_32 = tpu.matmul %concatenate3A_11, %sub3A, %dot_general3A_31 {dimension_numbers = #tpu.dot_dimension_numbers<[1], [0], [0], [1], [0, 0, 1, 1], [], []>, transpose_lhs_hint = false} : vector<632x128xf32>, vector<128x128xf32>, vector<632x128xf32> -> vector<632x128xf32>
    %add3A = arith.addf %dot_general3A_30, %dot_general3A_32 : vector<632x128xf32>
    %max3A = arith.constant 1.000000e+00 : f32
    %max3A_33 = vector.broadcast %max3A : f32 to vector<632x1xf32>
    %max3A_34 = arith.maximumf %get3A_14, %max3A_33 : vector<632x1xf32>
    %div3A = vector.broadcast %max3A_34 : vector<632x1xf32> to vector<632x128xf32>
    %div3A_35 = arith.divf %add3A, %div3A : vector<632x128xf32>
    %get3A_36 = arith.constant 0 : index
    %get3A_37 = arith.constant 0 : index
    %get3A_38 = vector.load %arg5[%get3A_36, %get3A_37] : memref<632x128xf32, #tpu.memory_space<vmem>>, vector<632x128xf32>
    %get3A_39 = arith.constant 0 : index
    %get3A_40 = arith.constant 0 : index
    %get3A_41 = vector.load %arg7[%get3A_39, %get3A_40] : memref<128x128xf32, #tpu.memory_space<vmem>>, vector<128x128xf32>
    %dot_general3A_42 = arith.constant dense<0.000000e+00> : vector<632x128xf32>
    %dot_general3A_43 = tpu.matmul %get3A_38, %get3A_41, %dot_general3A_42 {dimension_numbers = #tpu.dot_dimension_numbers<[1], [0], [0], [1], [0, 0, 1, 1], [], []>, transpose_lhs_hint = false} : vector<632x128xf32>, vector<128x128xf32>, vector<632x128xf32> -> vector<632x128xf32>
    %add3A_44 = arith.addf %div3A_35, %dot_general3A_43 : vector<632x128xf32>
    %get3A_45 = arith.constant 0 : index
    %get3A_46 = arith.constant 0 : index
    %get3A_47 = vector.load %arg8[%get3A_45, %get3A_46] : memref<1x128xf32, #tpu.memory_space<vmem>>, vector<1x128xf32>
    %add3A_48 = vector.broadcast %get3A_47 : vector<1x128xf32> to vector<632x128xf32>
    %add3A_49 = arith.addf %add3A_44, %add3A_48 : vector<632x128xf32>
    %max3A_50 = arith.constant 0.000000e+00 : f32
    %max3A_51 = vector.broadcast %max3A_50 : f32 to vector<632x128xf32>
    %max3A_52 = arith.maximumf %add3A_49, %max3A_51 : vector<632x128xf32>
    %swap3A = arith.constant 0 : index
    %swap3A_53 = arith.constant 0 : index
    %swap3A_54 = vector.load %arg9[%swap3A, %swap3A_53] : memref<632x128xf32, #tpu.memory_space<vmem>>, vector<632x128xf32>
    tpu.vector_store %arg9[%swap3A, %swap3A_53], %max3A_52 {strides = array<i32>} : memref<632x128xf32, #tpu.memory_space<vmem>>, vector<632x128xf32>,
    return
  }
  func.func @transform_0(%arg0: i32) -> (i32, i32) {
    %c0_i32 = arith.constant 0 : i32
    %c0_i32_0 = arith.constant 0 : i32
    return %arg0, %c0_i32 : i32, i32
  }
  func.func @transform_1(%arg0: i32) -> (i32, i32) {
    %add3A = arith.constant 16 : i32
    %add3A_0 = arith.addi %arg0, %add3A : i32
    %c0_i32 = arith.constant 0 : i32
    %c0_i32_1 = arith.constant 0 : i32
    return %add3A_0, %c0_i32 : i32, i32
  }
  func.func @transform_2(%arg0: i32) -> (i32, i32) {
    %c0_i32 = arith.constant 0 : i32
    %c0_i32_0 = arith.constant 0 : i32
    return %arg0, %c0_i32 : i32, i32
  }
  func.func @transform_3(%arg0: i32) -> (i32, i32) {
    %add3A = arith.constant 16 : i32
    %add3A_0 = arith.addi %arg0, %add3A : i32
    %c0_i32 = arith.constant 0 : i32
    %c0_i32_1 = arith.constant 0 : i32
    return %add3A_0, %c0_i32 : i32, i32
  }
  func.func @transform_4(%arg0: i32) -> (i32, i32) {
    %c0_i32 = arith.constant 0 : i32
    %c0_i32_0 = arith.constant 0 : i32
    return %arg0, %c0_i32 : i32, i32
  }
  func.func @transform_5(%arg0: i32) -> (i32, i32, i32) {
    %c0_i32 = arith.constant 0 : i32
    %c0_i32_0 = arith.constant 0 : i32
    %c0_i32_1 = arith.constant 0 : i32
    %c0_i32_2 = arith.constant 0 : i32
    return %c0_i32, %c0_i32_0, %c0_i32_1 : i32, i32, i32
  }
  func.func @transform_6(%arg0: i32) -> (i32, i32) {
    %c0_i32 = arith.constant 0 : i32
    %c0_i32_0 = arith.constant 0 : i32
    %c0_i32_1 = arith.constant 0 : i32
    return %c0_i32, %c0_i32_0 : i32, i32
  }
  func.func @transform_7(%arg0: i32) -> (i32, i32) {
    %c0_i32 = arith.constant 0 : i32
    %c0_i32_0 = arith.constant 0 : i32
    %c0_i32_1 = arith.constant 0 : i32
    return %c0_i32, %c0_i32_0 : i32, i32
  }
  func.func @transform_8(%arg0: i32) -> (i32, i32) {
    %c0_i32 = arith.constant 0 : i32
    %c0_i32_0 = arith.constant 0 : i32
    return %arg0, %c0_i32 : i32, i32
  }
}

</mosaic_0001>

<sc_bundles>
// kernel: kernel.4.cloned.1.call-start
scs
__scs_entry_jumppad:
0x0: {  	(pc) =	sbr.rel $0x88, $3  }
0x1: {  	(tag) =	ssettag $0x0;
	lr =	simm.s32 $0x1  }
0x2: {  	[smem:$0x3F9B] =	sst lr;
	_ =	strace $0xD0000000  }
0x3: {  	_ = 	snop  }
0x4: {  	_ = 	snop  }
0x5: {  	_ = 	snop  }
0x6: {  	_ = 	snop  }
0x7: {  	_ = 	snop  }
__scs_overlays_trampoline_lowered:
0x8: {  	[smem:$0x3FAA] =	sst s0  }
0x9: {  	[smem:$0x3FAB] =	sst s1  }
0xa: {  	[smem:$0x3FAC] =	sst s2  }
0xb: {  	[smem:$0x3FAD] =	sst s3  }
0xc: {  	[smem:$0x3FAE] =	sst s4  }
0xd: {  	[smem:$0x3FAF] =	sst s5  }
0xe: {  	[smem:$0x3FB0] =	sst s6  }
0xf: {  	[smem:$0x3FB1] =	sst s7  }
0x10: {  	[smem:$0x3FB2] =	sst s8  }
0x11: {  	[smem:$0x3FB3] =	sst s9;
	s0 =	simm.s32 @!p0 $0x0  }
0x12: {  	s1 =	sld [smem:$0x3F99];
	s0 =	simm.s32 @p0 $0x1  }
0x13: {  	[smem:$0x3FB4] =	sst s0;
	s0 =	simm.s32 @!p1 $0x0  }
0x14: {  	s2 =	sld [smem:$0x3F98];
	s0 =	simm.s32 @p1 $0x1  }
0x15: {  	[smem:$0x3FB5] =	sst s0;
	s0 =	simm.s32 @!p2 $0x0  }
0x16: {  	s3 =	sld [smem:$0x3FDB];
	s0 =	simm.s32 @p2 $0x1  }
0x17: {  	s4 =	simm.s32 $0x1BF5;
	[smem:$0x3FB7] =	sst s0  }
0x18: {  	s0 =	sld [smem:$0x3F9A];
	_ =	swait.ge [sflag:s4], $0x0  }
0x19: {  	s7 =	sld [smem:$0x3F9B]  }
0x1a: {  	s8 =	sadd.s32 $0xFFFFE003, lr  }
0x1b: {  	s9 =	sadd.s32 $0xFFFFFEF7, lr;
	s5 =	simm.s32 $0xFFFFFFFF;
	p2 =	slt.u32 s8, $0xFFFFF086  }
0x1c: {  	p1 =	slt.u32 s9, $0xF7A;
	s5 =	simm.s32 @!p2 $0x0  }
0x1d: {  	s5 =	simm.s32 @p1 $0x1;
	p0 =	seq.s32 s7, s2  }
0x1e: {  	s7 =	smul.u32 @!p0 $0xF7A, s2;
	p2 =	seq.s32 @!p0 s5, $0x0  }
0x1f: {  	s9 =	smul.u32 $0xF7A, s1;
	s8 =	simm.s32 @!p0 $0x1BF5;
	p2 =	por !p2, p0  }
0x20: {  	[sflag:s8] =	ssyncset.s32 @!p0 $0xFFFFF086;
	s6 =	sadd.s32 @!p0 s3, s7;
	s7 =	simm.s32 @!p0 $0x108  }
0x21: {  	s3 =	sadd.s32 s3, s9;
	s6 =	sadd.s32 @!p0 $0x88, s6;
	s7 =	simm.s32 @p2 $0x1082  }
0x22: {  	[simem:s7], [sflag:s8] =	dma.local @!p0 [hbm:s6], $0xF7A  }
0x23: {  	s9 =	sor.u32 $0xD0000000, s2;
	s6 =	simm.s32 $0x108;
	_ =	swait.ge @!p0 [sflag:s8], $0x0  }
0x24: {  	s3 =	sadd.s32 $0x88, s3;
	s6 =	simm.s32 @!p1 $0x1082;
	[sflag:s4] =	ssyncset.s32 $0xFFFFF086  }
0x25: {  	[simem:s6], [sflag:s4] =	dma.local [hbm:s3], $0xF7A  }
0x26: {  	[smem:$0x3F9B] =	sst s1;
	(tag) =	ssettag s2;
	_ =	strace s9  }
0x27: {  	s1 =	sld [smem:$0x3FAB]  }
0x28: {  	s2 =	sld [smem:$0x3FAC]  }
0x29: {  	s4 =	sld [smem:$0x3FAE]  }
0x2a: {  	p0 =	seq.s32 s5, $0x0;
	s5 =	sld [smem:$0x3FAF]  }
0x2b: {  	s6 =	sld [smem:$0x3FB0]  }
0x2c: {  	s7 =	sld [smem:$0x3FB1]  }
0x2d: {  	s3 =	simm.s32 $0x108;
	s8 =	sld [smem:$0x3FB2]  }
0x2e: {  	s3 =	simm.s32 @!p0 $0x1082;
	s9 =	sld [smem:$0x3FB3]  }
0x2f: {  	lr =	sadd.s32 s0, s3;
	s0 =	sld [smem:$0x3FAA]  }
0x30: {  	s3 =	sld [smem:$0x3FAD]  }
0x31: {  	[smem:$0x3FB6] =	sst s10  }
0x32: {  	s10 =	sld [smem:$0x3FB4];
	_ =	sdelay $0x3  }
0x33: {  	p0 =	seq.s32 s10, $0x1;
	s10 =	sld [smem:$0x3FB6];
	_ =	sdelay $0x3  }
0x34: {  	[smem:$0x3FB6] =	sst s10  }
0x35: {  	s10 =	sld [smem:$0x3FB5];
	_ =	sdelay $0x3  }
0x36: {  	p1 =	seq.s32 s10, $0x1;
	s10 =	sld [smem:$0x3FB6];
	_ =	sdelay $0x3  }
0x37: {  	[smem:$0x3FB6] =	sst s10  }
0x38: {  	s10 =	sld [smem:$0x3FB7]  }
0x39: {  	_ = 	snop;
	(pc) =	sbr.ind lr, $3  }
0x3a: {  	_ = 	snop  }
0x3b: {  	_ = 	snop  }
0x3c: {  	p2 =	seq.s32 s10, $0x1;
	s10 =	sld [smem:$0x3FB6]  }
0x3d: {  	_ =	shalt  }
0x3e: {  	_ =	shalt  }
0x3f: {  	_ =	shalt  }
0x40: {  	_ =	shalt  }
0x41: {  	_ =	shalt  }
0x42: {  	_ =	shalt  }
0x43: {  	_ =	shalt  }
0x44: {  	_ =	shalt  }
0x45: {  	_ =	shalt  }
0x46: {  	_ =	shalt  }
0x47: {  	_ =	shalt  }
0x48: {  	_ =	shalt  }
0x49: {  	_ =	shalt  }
0x4a: {  	_ =	shalt  }
0x4b: {  	_ =	shalt  }
0x4c: {  	_ =	shalt  }
0x4d: {  	_ =	shalt  }
0x4e: {  	_ =	shalt  }
0x4f: {  	_ =	shalt  }
0x50: {  	_ =	shalt  }
0x51: {  	_ =	shalt  }
0x52: {  	_ =	shalt  }
0x53: {  	_ =	shalt  }
0x54: {  	_ =	shalt  }
0x55: {  	_ =	shalt  }
0x56: {  	_ =	shalt  }
0x57: {  	_ =	shalt  }
0x58: {  	_ =	shalt  }
0x59: {  	_ =	shalt  }
0x5a: {  	_ =	shalt  }
0x5b: {  	_ =	shalt  }
0x5c: {  	_ =	shalt  }
0x5d: {  	_ =	shalt  }
0x5e: {  	_ =	shalt  }
0x5f: {  	_ =	shalt  }
0x60: {  	_ =	shalt  }
0x61: {  	_ =	shalt  }
0x62: {  	_ =	shalt  }
0x63: {  	_ =	shalt  }
0x64: {  	_ =	shalt  }
0x65: {  	_ =	shalt  }
0x66: {  	_ =	shalt  }
0x67: {  	_ =	shalt  }
0x68: {  	_ =	shalt  }
0x69: {  	_ =	shalt  }
0x6a: {  	_ =	shalt  }
0x6b: {  	_ =	shalt  }
0x6c: {  	_ =	shalt  }
0x6d: {  	_ =	shalt  }
0x6e: {  	_ =	shalt  }
0x6f: {  	_ =	shalt  }
0x70: {  	_ =	shalt  }
0x71: {  	_ =	shalt  }
0x72: {  	_ =	shalt  }
0x73: {  	_ =	shalt  }
0x74: {  	_ =	shalt  }
0x75: {  	_ =	shalt  }
0x76: {  	_ =	shalt  }
0x77: {  	_ =	shalt  }
0x78: {  	_ =	shalt  }
0x79: {  	_ =	shalt  }
0x7a: {  	_ =	shalt  }
0x7b: {  	_ =	shalt  }
0x7c: {  	_ =	shalt  }
0x7d: {  	_ =	shalt  }
0x7e: {  	_ =	shalt  }
0x7f: {  	_ =	shalt  }
0x80: {  	_ =	shalt  }
0x81: {  	_ =	shalt  }
0x82: {  	_ =	shalt  }
0x83: {  	_ =	shalt  }
0x84: {  	_ =	shalt  }
0x85: {  	_ =	shalt  }
0x86: {  	_ =	shalt  }
0x87: {  	_ =	shalt  }
.Lfunc_end0:
.L_simem_size_0:
called_computation_lowered:
.L_overlay_start_0:
0x88: {  	s2 =	sld [smem:$0x3FD9]  }
0x89: {  	s3 =	sld [smem:$0x3FFE];
	_ =	sdelay $0x1  }
0x8a: {  	s1 =	srdreg.scid  }
0x8b: {  	s0 =	sand.u32 $0x1, s1  }
0x8c: {  	s17 =	sshll.u32 s0, $0xA;
	s2 =	sadd.s32 s3, s2  }
0x8d: {  	s2 =	sadd.s32 s2, s17  }
0x8e: {  	[smem:$0x3FC2] =	sst s2  }
0x8f: {  	_ = 	snop  }
0x90: {  	s2 =	sld [smem:$0x3FD0];
	(tm) =	ssettm $0x1  }
0x91: {  	s18 =	sld [smem:$0x3FFB];
	_ =	sdelay $0x3  }
0x92: {  	_ =	strace s18  }
0x93: {  	s3 =	sld [smem:$0x3FFC];
	_ =	sdelay $0x3  }
0x94: {  	_ =	strace s3  }
0x95: {  	s3 =	sld [smem:$0x3FFD];
	_ =	sdelay $0x3  }
0x96: {  	_ =	strace s3  }
0x97: {  	_ =	strace $0x8FFFFFFF  }
0x98: {  	s19 =	sld [smem:$0x3FDB];
	_ =	sdelay $0x1  }
0x99: {  	s4 =	simm.s32 $_scs_section_size  }
0x9a: {  	s5 =	simm.s32 $_size__tile_overlayer_lowered;
	s6 =	simm.s32 $_tile_overlayer_lowered  }
0x9b: {  	s22 =	simm.s32 $0x1BFF;
	s21 =	sshll.u32 s6, $0x1;
	s3 =	sadd.s32 s4, s19  }
0x9c: {  	s7 =	simm.s32 $0x0;
	s20 =	sshll.u32 s5, $0x1;
	s5 =	sadd.s32 s21, s3  }
0x9d: {  	[timem:s7], [sflag:s22] =	dma.local [hbm:s5], s20  }
0x9e: {  	_ =	swait.ge [sflag:s22], s20  }
0x9f: {  	s4 =	ssub.s32 $0x0, s20;
	[sflag:s22] =	ssyncset.done $0x0  }
0xa0: {  	[sflag:s22] =	ssyncadd.s32 s4;
	_ =	sdelay $0x1  }
0xa1: {  	s23 =	simm.s32 $0x1B8B  }
0xa2: {  	_ =	swait.ge [sflag:s23], $0x1  }
0xa3: {  	[sflag:s23] =	ssyncset.done $0x0  }
0xa4: {  	s25 =	simm.s32 $0x1B8E;
	s24 =	sld [smem:$0x3FFE];
	[sflag:s23] =	ssyncadd.s32 $0xFFFFFFFF  }
0xa5: {  	s26 =	simm.s32 $execute0_lowered;
	[smem:$0x3FD2] =	sst s25  }
0xa6: {  	s5 =	sshll.u32 s26, $0x1;
	_ =	strace $0x80000046;
	[dreg:$0x1] =	wrdreg $0xFFFFFFFF  }
0xa7: {  	s28 =	simm.s32 $_size_execute0_lowered;
	s3 =	sadd.s32 s3, s5;
	[dreg:$0x0] =	wrdreg $0x0  }
0xa8: {  	s5 =	sshll.u32 s28, $0x1;
	[dreg:$0x2] =	wrdreg s3  }
0xa9: {  	[dreg:$0x3] =	wrdreg s5  }
0xaa: {  	[dreg:$0x4] =	wrdreg $0xC0  }
0xab: {  	_ =	task [dreg:s7], $0x5FFFF  }
0xac: {  	[dreg:$0x1] =	wrdreg $0xFFFFFFFF  }
0xad: {  	[dreg:$0x0] =	wrdreg $0x60  }
0xae: {  	[dreg:$0x2] =	wrdreg s24  }
0xaf: {  	[dreg:$0x3] =	wrdreg s2  }
0xb0: {  	[dreg:$0x4] =	wrdreg $0x98000  }
0xb1: {  	[dreg:$0x5] =	wrdreg $0x15D800  }
0xb2: {  	[dreg:$0x6] =	wrdreg $0x9  }
0xb3: {  	_ =	task.clear_ibuf [dreg:s7], $0x7FFFF;
	_ =	strace $0x90000046  }
0xb4: {  	s29 =	simm.s32 $0x9;
	_ =	strace $0x80000048  }
0xb5: {  	_ =	swait.ge [sflag:s29], $0x1  }
0xb6: {  	[sflag:s29] =	ssyncadd.s32 $0xFFFFFFFF  }
0xb7: {  	_ =	strace $0x90000048  }
0xb8: {  	_ =	sfence  }
0xb9: {  	s30 =	sld [smem:$0x0];
	_ =	sdelay $0x2  }
0xba: {  	s31 =	sshll.u32 s1, $0xD;
	s1 =	sshrl.u32 s1, $0x2  }
0xbb: {  	s3 =	sand.u32 $0x4000, s31;
	s1 =	sadd.s32 s1, s30  }
0xbc: {  	s0 =	sor.u32 s3, s0;
	s1 =	sshll.u32 s1, $0x11  }
0xbd: {  	s0 =	sor.u32 s1, s0  }
0xbe: {  	s0 =	sadd.s32 $0x8F2B, s0  }
0xbf: {  	[sflag:s0] =	ssyncadd.remote.s32 $0x1  }
0xc0: {  	_ =	sfence.sel $0xFFFF  }
0xc1: {  	[dreg:$0x0] =	wrdreg $0xFFFFFFFF;
	(pc) =	sbr.abs _section_cstart, $3  }
0xc2: {  	[dreg:$0x1] =	wrdreg $0xFFFFFFFF  }
0xc3: {  	_ =	task.clear_ibuf [dreg:s7], $0x2FFFF;
	_ =	strace $0x9FFFFFFF  }
0xc4: {  	(tm) =	ssettm $0x7FFFFFFF  }
0xc5: {  	_ =	shalt  }
tec
execute0_lowered:
.L_overlay_start_1:
0x0: {  	(tag) =	ssettag $0x1  }
0x1: {  	s0 =	rddreg [dreg:$0x0]  }
0x2: {  	s1 =	srdreg.scid;
	s3 =	rddreg [dreg:$0x2]  }
0x3: {  	s12 =	stileid.u32;
	s4 =	rddreg [dreg:$0x3]  }
0x4: {  	s6 =	simm.s32 $0x0;
	s28 =	simm.s32 $0x7;
	s29 =	simm.s32 $0x3  }
0x5: {  	s30 =	simm.s32 $0x6;
	s31 =	simm.s32 $0x280;
	s2 =	smul.u32 $0x278, s12  }
0x6: {  	s1 =	sand.u32 $0x1, s1;
	[smem:$0x7FF] =	sst s6;
	s8 =	smul.u32 $0x31600, s12  }
0x7: {  	s6 =	sadd.s32 $0xE00, s0;
	s7 =	sadd.s32 $0x31C00, s0;
	s10 =	smul.u32 $0x14000, s12  }
0x8: {  	s9 =	sadd.s32 $0x81C00, s0;
	s11 =	smul.u32 $0x27800, s12;
	s20 =	sshll.u32 s12, $0x6  }
0x9: {  	s12 =	simm.s32 $0xB;
	s5 =	smul.u32 $0x2780, s1;
	_ =	strace $0x80000047  }
0xa: {  	[dreg:$0x5] =	wrdreg s9;
	s16 =	smul.u32 $0x140000, s1;
	s1 =	ssub.s32 $0x2, s1  }
0xb: {  	s17 =	sshrl.u32 s1, $0x1;
	s8 =	sshrl.u32 s8, $0x2;
	s11 =	sshrl.u32 s11, $0x2  }
0xc: {  	s2 =	sadd.s32 s2, s5;
	s9 =	sadd.s32 s10, s16;
	s1 =	ssub.s32 s1, s17  }
0xd: {  	s18 =	sadd.s32 s8, s3;
	s10 =	sor.u32 $0x1C0B, s20;
	s22 =	sadd.s32 s11, s4  }
0xe: {  	s8 =	simm.s32 $0x4;
	s11 =	simm.s32 $0x5;
	s16 =	simm.s32 $0x480  }
0xf: {  	s17 =	simm.s32 $0x9;
	s5 =	smul.u32 $0xA, s2;
	s2 =	sshll.u32 s2, $0x3  }
0x10: {  	s19 =	sshrl.u32 s9, $0x3;
	s24 =	sor.u32 $0x400, s9;
	s25 =	sor.u32 $0x600, s9  }
0x11: {  	s14 =	sor.u32 $0x800, s9;
	s15 =	sor.u32 $0xA00, s9;
	[dreg:$0x7] =	wrdreg s10  }
0x12: {  	s26 =	smax.u32 s1, $0x1;
	s9 =	sshrl.u32 s18, $0x3;
	[dreg:$0x9] =	wrdreg s24  }
0x13: {  	s13 =	sshrl.u32 s22, $0x3;
	s1 =	simm.s32 $0x3000;
	[dreg:$0xa] =	wrdreg s25  }
0x14: {  	s22 =	simm.s32 $0x8;
	s18 =	simm.s32 $0x0;
	[dreg:$0xd] =	wrdreg s26  }
0x15: {  	s21 =	sadd.s32 s7, s19;
	s24 =	simm.s32 $0x800;
	[dreg:$0xe] =	wrdreg s9  }
0x16: {  	s25 =	simm.s32 $0x400;
	s26 =	simm.s32 $0x5800;
	[dreg:$0xf] =	wrdreg s13  }
0x17: {  	s5 =	sadd.s32 s5, s0;
	[dreg:$0x6] =	wrdreg s21;
	s23 =	sadd.s32 $0x40, s21  }
0x18: {  	s0 =	sadd.s32 s2, s0;
	[dreg:$0x8] =	wrdreg s23;
	s5 =	sadd.s32 $0x83000, s5  }
0x19: {  	s2 =	simm.s32 $0x7800;
	s0 =	sadd.s32 $0xB4600, s0;
	[dreg:$0xb] =	wrdreg s5  }
0x1a: {  	s23 =	simm.s32 $0x80;
	[dreg:$0xc] =	wrdreg s0;
	s0 =	simm.s32 $0x600  }
.LBB2_1:
0x1b: {  	[dreg:$0x10] =	wrdreg s18  }
0x1c: {  	s5 =	rddreg [dreg:$0x1]  }
0x1d: {  	[spmem:s9], [sflag:s10] =	dma.local [hbm:s5], $0x18B0  }
0x1e: {  	_ =	swait.ge [sflag:s12], $0x18B0  }
0x1f: {  	[sflag:s12] =	ssyncset.done $0x0  }
0x20: {  	s9 =	rddreg [dreg:$0x5];
	[sflag:s12] =	ssyncadd.s32 $0xFFFFE750  }
0x21: {  	[spmem:s13], [sflag:s10] =	dma.local [hbm:s9], $0x13C0  }
0x22: {  	_ =	swait.ge [sflag:s12], $0x13C0  }
0x23: {  	[sflag:s12] =	ssyncset.done $0x0  }
0x24: {  	s18 =	simm.s32 $0x0;
	s19 =	rddreg [dreg:$0x6];
	[sflag:s12] =	ssyncadd.s32 $0xFFFFEC40  }
0x25: {  	[tilespmem:s18], [sflag:$0xB] =	stream.linear.gather [hbm4b:s19+s18], $0x200, $0x38;
	[tilespmem:$0x1FB80] =	vst v63  }
0x26: {  	_ =	swait.ge [sflag:s12], $0x200  }
0x27: {  	[sflag:s12] =	ssyncset.done $0x0  }
0x28: {  	s21 =	simm.s32 $0x200;
	s20 =	rddreg [dreg:$0x8];
	[sflag:s12] =	ssyncadd.s32 $0xFFFFFE00  }
0x29: {  	[tilespmem:s21], [sflag:$0x2] =	stream.linear.gather [hbm4b:s20+s18], $0x200, $0x38;
	[tilespmem:$0x1FB80] =	vst v63  }
0x2a: {  	s9 =	simm.s32 $0x0;
	[bflag:$0x0] =	sbarrier.arrive $0xFFFF  }
0x2b: {  	[tilespmem:s24], [sflag:$0x5] =	stream.indirect.gather [hbm4b:s6+s23], $0x50, s18, s23, $0xb8;
	[tilespmem:$0x1FB80] =	vst v63  }
.LBB2_2:
0x2c: {  	p0 =	seq.s32 s9, $0x0  }
0x2d: {  	s5 =	simm.s32 @p0 $0x2  }
0x2e: {  	_ =	swait.ge @p0 [sflag:s5], $0x200  }
0x2f: {  	s10 =	simm.s32 @p0 $0x200;
	[sflag:s5] =	ssyncset.done @p0 $0x0  }
0x30: {  	s19 =	simm.s32 @p0 $0x3000;
	[sflag:s5] =	ssyncadd.s32 @p0 $0xFFFFFE00;
	s5 =	simm.s32 @p0 $0x80  }
0x31: {  	[tilespmem:s19], [sflag:$0x6] =	stream.indirect.gather @p0 [hbm4b:s6+s5], $0x50, s10, s5, $0xb8;
	[tilespmem:$0x1FB80] =	vst v63  }
0x32: {  	s10 =	simm.s32 @p0 $0x5  }
0x33: {  	_ =	swait.ge @p0 [sflag:s10], $0x2800  }
0x34: {  	[sflag:s10] =	ssyncset.done @p0 $0x0  }
0x35: {  	[sflag:s10] =	ssyncadd.s32 @p0 $0xFFFFD800;
	s10 =	simm.s32 @p0 $0x800  }
0x36: {  	[spmem:s3] =	stream.indirect.scatter.add.f32 @p0 [tilespmem:s10], [sflag:$0x7], $0x50, s5, s5, $0xb8;
	[tilespmem:$0x1FB80] =	vst v63  }
0x37: {  	s5 =	simm.s32 @!p0 $0x8  }
0x38: {  	_ =	swait.ge @!p0 [sflag:s5], $0x2800  }
0x39: {  	[sflag:s5] =	ssyncset.done @!p0 $0x0  }
0x3a: {  	[sflag:s5] =	ssyncadd.s32 @!p0 $0xFFFFD800;
	s5 =	simm.s32 @!p0 $0x2  }
0x3b: {  	_ =	swait.ge @!p0 [sflag:s5], $0x200  }
0x3c: {  	s19 =	simm.s32 @!p0 $0x3000;
	[sflag:s5] =	ssyncset.done @!p0 $0x0  }
0x3d: {  	s10 =	simm.s32 @!p0 $0x200;
	[sflag:s5] =	ssyncadd.s32 @!p0 $0xFFFFFE00;
	s5 =	simm.s32 @!p0 $0x80  }
0x3e: {  	[tilespmem:s19], [sflag:$0x6] =	stream.indirect.gather @!p0 [hbm4b:s6+s5], $0x50, s10, s5, $0xb8;
	[tilespmem:$0x1FB80] =	vst v63  }
0x3f: {  	s10 =	simm.s32 @!p0 $0x5  }
0x40: {  	_ =	swait.ge @!p0 [sflag:s10], $0x2800  }
0x41: {  	[sflag:s10] =	ssyncset.done @!p0 $0x0  }
0x42: {  	[sflag:s10] =	ssyncadd.s32 @!p0 $0xFFFFD800;
	s10 =	simm.s32 @!p0 $0x800  }
0x43: {  	[spmem:s3] =	stream.indirect.scatter.add.f32 @!p0 [tilespmem:s10], [sflag:$0x7], $0x50, s5, s5, $0xb8;
	[tilespmem:$0x1FB80] =	vst v63  }
0x44: {  	s5 =	simm.s32 @!p0 $0x9  }
0x45: {  	_ =	swait.ge @!p0 [sflag:s5], $0x2000  }
0x46: {  	s19 =	sshll.u32 s9, $0xB;
	s21 =	rddreg [dreg:$0x9]  }
0x47: {  	s12 =	simm.s32 $0x0;
	s10 =	sadd.s32 s19, s21  }
0x48: {  	s13 =	sand.u32 $0x7F, s12;
	[sflag:s5] =	ssyncset.done @!p0 $0x0;
	s10 =	sshrl.u32 s10, $0x3  }
0x49: {  	[sflag:s5] =	ssyncadd.s32 @!p0 $0xFFFFE000;
	s5 =	sor.u32 $0x100, s13;
	s10 =	sadd.s32 s7, s10  }
0x4a: {  	[tilespmem:s25], [sflag:$0x3] =	stream.linear.gather [hbm4b:s10+s12], $0x200, $0x38;
	[tilespmem:$0x1FB80] =	vst v63  }
0x4b: {  	s18 =	simm.s32 $0x820;
	v0 =	vld.msk [tilespmem:s5+$0x0 ss:$0x0], $0xffff  }
0x4c: {  	v1 =	vld [tilespmem:s18+$0xFFFFFFE0];
	_ =	sdelay $0x4  }
0x4d: {  	v1 =	vmul.f32 v0, v1  }
0x4e: {  	s21 =	simm.s32 $0x5820  }
0x4f: {  	[tilespmem:s21+$0xFFFFFFE0] =	vst v1  }
0x50: {  	v1 =	vld [tilespmem:s18+$0xFFFFFFF0];
	_ =	sdelay $0x4  }
0x51: {  	v1 =	vmul.f32 v1, v0;
	_ =	sdelay $0x1  }
0x52: {  	[tilespmem:s21+$0xFFFFFFF0] =	vst v1  }
0x53: {  	v1 =	vld [tilespmem:s18+$0x0];
	_ =	sdelay $0x4  }
0x54: {  	v1 =	vmul.f32 v1, v0;
	_ =	sdelay $0x1  }
0x55: {  	[tilespmem:s21+$0x0] =	vst v1  }
0x56: {  	v1 =	vld [tilespmem:s18+$0x10];
	_ =	sdelay $0x3  }
0x57: {  	s20 =	simm.s32 $0x1  }
0x58: {  	s20 =	sand.u32 $0x7F, s20;
	s10 =	simm.s32 $0x870;
	s5 =	simm.s32 $0x2;
	v0 =	vmul.f32 v1, v0  }
.LBB2_3:
0x59: {  	s20 =	sor.u32 $0x100, s20  }
0x5a: {  	[tilespmem:s21+$0x10] =	vst v0;
	s21 =	sadd.s32 $0x40, s21;
	s18 =	smov.u32 s5;
	s12 =	sadd.s32 $0x1, s5  }
0x5b: {  	p1 =	sne.s32 s5, $0x7F;
	v0 =	vld.msk [tilespmem:s20+$0x0 ss:$0x0], $0xffff  }
0x5c: {  	v1 =	vld [tilespmem:s10+$0xFFFFFFE0];
	_ =	sdelay $0x4  }
0x5d: {  	v1 =	vmul.f32 v0, v1;
	_ =	sdelay $0x1  }
0x5e: {  	[tilespmem:s21+$0xFFFFFFE0] =	vst v1  }
0x5f: {  	v1 =	vld [tilespmem:s10+$0xFFFFFFF0];
	_ =	sdelay $0x4  }
0x60: {  	v1 =	vmul.f32 v1, v0;
	_ =	sdelay $0x1  }
0x61: {  	[tilespmem:s21+$0xFFFFFFF0] =	vst v1  }
0x62: {  	v1 =	vld [tilespmem:s10+$0x0];
	_ =	sdelay $0x4  }
0x63: {  	v1 =	vmul.f32 v1, v0;
	_ =	sdelay $0x1  }
0x64: {  	[tilespmem:s21+$0x0] =	vst v1  }
0x65: {  	v1 =	vld [tilespmem:s10+$0x10];
	_ =	sdelay $0x1  }
.Ltmp0:
0x66: {  	(pc) =	sbr.rel @p1 .LBB2_3-.Ltmp0, $3  }
0x67: {  	_ =	sdelay $0x1  }
0x68: {  	v0 =	vmul.f32 v1, v0  }
0x69: {  	s20 =	sand.u32 $0x7F, s18;
	s5 =	smov.u32 s12;
	s10 =	sadd.s32 $0x50, s10  }
0x6a: {  	s5 =	sor.u32 $0x100, s20;
	[tilespmem:s21+$0x10] =	vst v0  }
0x6b: {  	v0 =	vld.msk [tilespmem:s5+$0x0 ss:$0x0], $0xffff  }
0x6c: {  	v1 =	vld [tilespmem:s10+$0xFFFFFFE0];
	_ =	sdelay $0x4  }
0x6d: {  	v1 =	vmul.f32 v0, v1  }
0x6e: {  	s20 =	sadd.s32 $0x40, s21  }
0x6f: {  	[tilespmem:s20+$0xFFFFFFE0] =	vst v1  }
0x70: {  	v1 =	vld [tilespmem:s10+$0xFFFFFFF0];
	_ =	sdelay $0x4  }
0x71: {  	v1 =	vmul.f32 v1, v0;
	_ =	sdelay $0x1  }
0x72: {  	[tilespmem:s20+$0xFFFFFFF0] =	vst v1  }
0x73: {  	v1 =	vld [tilespmem:s10+$0x0];
	_ =	sdelay $0x4  }
0x74: {  	v1 =	vmul.f32 v1, v0;
	_ =	sdelay $0x1  }
0x75: {  	[tilespmem:s20+$0x0] =	vst v1  }
0x76: {  	v1 =	vld [tilespmem:s10+$0x10];
	_ =	sdelay $0x4  }
0x77: {  	v0 =	vmul.f32 v1, v0;
	_ =	sdelay $0x1  }
0x78: {  	[tilespmem:s20+$0x10] =	vst v0  }
0x79: {  	[spmem:s4] =	stream.indirect.scatter.add.f32 [tilespmem:s26], [sflag:$0x9], $0x40, s23, s23, $0xb8;
	[tilespmem:$0x1FB80] =	vst v63  }
0x7a: {  	_ =	swait.ge [sflag:s28], $0x2800  }
0x7b: {  	[sflag:s28] =	ssyncset.done $0x0  }
0x7c: {  	[sflag:s28] =	ssyncadd.s32 $0xFFFFD800  }
0x7d: {  	_ =	swait.ge [sflag:s29], $0x200  }
0x7e: {  	[sflag:s29] =	ssyncset.done $0x0  }
0x7f: {  	[sflag:s29] =	ssyncadd.s32 $0xFFFFFE00  }
0x80: {  	[tilespmem:s24], [sflag:$0x5] =	stream.indirect.gather [hbm4b:s6+s23], $0x50, s25, s23, $0xb8;
	[tilespmem:$0x1FB80] =	vst v63  }
0x81: {  	_ =	swait.ge [sflag:s30], $0x2800  }
0x82: {  	[sflag:s30] =	ssyncset.done $0x0  }
0x83: {  	s5 =	simm.s32 @!p0 $0xA;
	[sflag:s30] =	ssyncadd.s32 $0xFFFFD800  }
0x84: {  	[spmem:s3] =	stream.indirect.scatter.add.f32 [tilespmem:s1], [sflag:$0x8], $0x50, s31, s23, $0xb8;
	[tilespmem:$0x1FB80] =	vst v63  }
0x85: {  	_ =	swait.ge @!p0 [sflag:s5], $0x2000  }
0x86: {  	s21 =	rddreg [dreg:$0xa]  }
0x87: {  	s12 =	simm.s32 $0x0;
	s10 =	sadd.s32 s19, s21  }
0x88: {  	s13 =	sand.u32 $0x7F, s12;
	[sflag:s5] =	ssyncset.done @!p0 $0x0;
	s10 =	sshrl.u32 s10, $0x3  }
0x89: {  	[sflag:s5] =	ssyncadd.s32 @!p0 $0xFFFFE000;
	s5 =	sor.u32 $0x300, s13;
	s10 =	sadd.s32 s7, s10  }
0x8a: {  	[tilespmem:s0], [sflag:$0x4] =	stream.linear.gather [hbm4b:s10+s12], $0x200, $0x38;
	[tilespmem:$0x1FB80] =	vst v63  }
0x8b: {  	s18 =	simm.s32 $0x3020;
	v0 =	vld.msk [tilespmem:s5+$0x0 ss:$0x0], $0xffff  }
0x8c: {  	v1 =	vld [tilespmem:s18+$0xFFFFFFE0];
	_ =	sdelay $0x4  }
0x8d: {  	v1 =	vmul.f32 v0, v1  }
0x8e: {  	s21 =	simm.s32 $0x7820  }
0x8f: {  	[tilespmem:s21+$0xFFFFFFE0] =	vst v1  }
0x90: {  	v1 =	vld [tilespmem:s18+$0xFFFFFFF0];
	_ =	sdelay $0x4  }
0x91: {  	v1 =	vmul.f32 v1, v0;
	_ =	sdelay $0x1  }
0x92: {  	[tilespmem:s21+$0xFFFFFFF0] =	vst v1  }
0x93: {  	v1 =	vld [tilespmem:s18+$0x0];
	_ =	sdelay $0x4  }
0x94: {  	v1 =	vmul.f32 v1, v0;
	_ =	sdelay $0x1  }
0x95: {  	[tilespmem:s21+$0x0] =	vst v1  }
0x96: {  	v1 =	vld [tilespmem:s18+$0x10];
	_ =	sdelay $0x3  }
0x97: {  	s20 =	simm.s32 $0x1  }
0x98: {  	s20 =	sand.u32 $0x7F, s20;
	s10 =	simm.s32 $0x3070;
	s5 =	simm.s32 $0x2;
	v0 =	vmul.f32 v1, v0  }
.LBB2_5:
0x99: {  	s12 =	sor.u32 $0x300, s20  }
0x9a: {  	[tilespmem:s21+$0x10] =	vst v0;
	s21 =	sadd.s32 $0x40, s21;
	s18 =	smov.u32 s5;
	s13 =	sadd.s32 $0x1, s5  }
0x9b: {  	p0 =	sne.s32 s5, $0x7F;
	v0 =	vld.msk [tilespmem:s12+$0x0 ss:$0x0], $0xffff  }
0x9c: {  	v1 =	vld [tilespmem:s10+$0xFFFFFFE0];
	_ =	sdelay $0x4  }
0x9d: {  	v1 =	vmul.f32 v0, v1;
	_ =	sdelay $0x1  }
0x9e: {  	[tilespmem:s21+$0xFFFFFFE0] =	vst v1  }
0x9f: {  	v1 =	vld [tilespmem:s10+$0xFFFFFFF0];
	_ =	sdelay $0x4  }
0xa0: {  	v1 =	vmul.f32 v1, v0;
	_ =	sdelay $0x1  }
0xa1: {  	[tilespmem:s21+$0xFFFFFFF0] =	vst v1  }
0xa2: {  	v1 =	vld [tilespmem:s10+$0x0];
	_ =	sdelay $0x4  }
0xa3: {  	v1 =	vmul.f32 v1, v0;
	_ =	sdelay $0x1  }
0xa4: {  	[tilespmem:s21+$0x0] =	vst v1  }
0xa5: {  	v1 =	vld [tilespmem:s10+$0x10];
	_ =	sdelay $0x1  }
.Ltmp1:
0xa6: {  	(pc) =	sbr.rel @p0 .LBB2_5-.Ltmp1, $3  }
0xa7: {  	_ =	sdelay $0x1  }
0xa8: {  	v0 =	vmul.f32 v1, v0  }
0xa9: {  	s20 =	sand.u32 $0x7F, s18;
	s5 =	smov.u32 s13;
	s10 =	sadd.s32 $0x50, s10  }
0xaa: {  	s5 =	sor.u32 $0x300, s20;
	[tilespmem:s21+$0x10] =	vst v0  }
0xab: {  	v0 =	vld.msk [tilespmem:s5+$0x0 ss:$0x0], $0xffff  }
0xac: {  	v1 =	vld [tilespmem:s10+$0xFFFFFFE0];
	_ =	sdelay $0x4  }
0xad: {  	v1 =	vmul.f32 v0, v1  }
0xae: {  	s12 =	sadd.s32 $0x40, s21  }
0xaf: {  	[tilespmem:s12+$0xFFFFFFE0] =	vst v1  }
0xb0: {  	v1 =	vld [tilespmem:s10+$0xFFFFFFF0];
	_ =	sdelay $0x4  }
0xb1: {  	v1 =	vmul.f32 v1, v0;
	_ =	sdelay $0x1  }
0xb2: {  	[tilespmem:s12+$0xFFFFFFF0] =	vst v1  }
0xb3: {  	v1 =	vld [tilespmem:s10+$0x0];
	_ =	sdelay $0x4  }
0xb4: {  	v1 =	vmul.f32 v1, v0;
	_ =	sdelay $0x1  }
0xb5: {  	[tilespmem:s12+$0x0] =	vst v1  }
0xb6: {  	v1 =	vld [tilespmem:s10+$0x10];
	_ =	sdelay $0x4  }
0xb7: {  	v0 =	vmul.f32 v1, v0;
	_ =	sdelay $0x1  }
0xb8: {  	[tilespmem:s12+$0x10] =	vst v0  }
0xb9: {  	[spmem:s4] =	stream.indirect.scatter.add.f32 [tilespmem:s2], [sflag:$0xA], $0x40, s31, s23, $0xb8;
	[tilespmem:$0x1FB80] =	vst v63  }
0xba: {  	_ =	swait.ge [sflag:s22], $0x2800  }
0xbb: {  	[sflag:s22] =	ssyncset.done $0x0  }
0xbc: {  	[sflag:s22] =	ssyncadd.s32 $0xFFFFD800  }
0xbd: {  	_ =	swait.ge [sflag:s8], $0x200  }
0xbe: {  	[sflag:s8] =	ssyncset.done $0x0  }
0xbf: {  	[sflag:s8] =	ssyncadd.s32 $0xFFFFFE00  }
0xc0: {  	[tilespmem:s1], [sflag:$0x6] =	stream.indirect.gather [hbm4b:s6+s23], $0x50, s0, s23, $0xb8;
	[tilespmem:$0x1FB80] =	vst v63  }
0xc1: {  	_ =	swait.ge [sflag:s11], $0x2800  }
0xc2: {  	[sflag:s11] =	ssyncset.done $0x0  }
0xc3: {  	p0 =	seq.s32 s9, $0x27;
	[sflag:s11] =	ssyncadd.s32 $0xFFFFD800  }
0xc4: {  	[spmem:s3] =	stream.indirect.scatter.add.f32 [tilespmem:s24], [sflag:$0x7], $0x50, s16, s23, $0xb8;
	[tilespmem:$0x1FB80] =	vst v63  }
0xc5: {  	s5 =	sadd.s32 @!p0 s19, s14;
	_ =	swait.ge [sflag:s17], $0x2000  }
0xc6: {  	s13 =	simm.s32 $0x0;
	s5 =	sshrl.u32 @!p0 s5, $0x3;
	[sflag:s17] =	ssyncset.done $0x0  }
0xc7: {  	s5 =	sadd.s32 @!p0 s7, s5;
	s10 =	simm.s32 @!p0 $0x0;
	[sflag:s17] =	ssyncadd.s32 $0xFFFFE000  }
0xc8: {  	[tilespmem:s10], [sflag:$0x1] =	stream.linear.gather @!p0 [hbm4b:s5+s10], $0x200, $0x38;
	[tilespmem:$0x1FB80] =	vst v63  }
0xc9: {  	s18 =	simm.s32 $0x820;
	s5 =	sand.u32 $0x7F, s13  }
0xca: {  	s5 =	sor.u32 $0x500, s5;
	v1 =	vld [tilespmem:s18+$0xFFFFFFE0]  }
0xcb: {  	v0 =	vld.msk [tilespmem:s5+$0x0 ss:$0x0], $0xffff;
	_ =	sdelay $0x4  }
0xcc: {  	v1 =	vmul.f32 v0, v1  }
0xcd: {  	s21 =	simm.s32 $0x5820  }
0xce: {  	[tilespmem:s21+$0xFFFFFFE0] =	vst v1  }
0xcf: {  	v1 =	vld [tilespmem:s18+$0xFFFFFFF0];
	_ =	sdelay $0x4  }
0xd0: {  	v1 =	vmul.f32 v1, v0;
	_ =	sdelay $0x1  }
0xd1: {  	[tilespmem:s21+$0xFFFFFFF0] =	vst v1  }
0xd2: {  	v1 =	vld [tilespmem:s18+$0x0];
	_ =	sdelay $0x4  }
0xd3: {  	v1 =	vmul.f32 v1, v0;
	_ =	sdelay $0x1  }
0xd4: {  	[tilespmem:s21+$0x0] =	vst v1  }
0xd5: {  	v1 =	vld [tilespmem:s18+$0x10];
	_ =	sdelay $0x3  }
0xd6: {  	s20 =	simm.s32 $0x1  }
0xd7: {  	s20 =	sand.u32 $0x7F, s20;
	s10 =	simm.s32 $0x870;
	s5 =	simm.s32 $0x2;
	v0 =	vmul.f32 v1, v0  }
.LBB2_7:
0xd8: {  	s12 =	sor.u32 $0x500, s20  }
0xd9: {  	[tilespmem:s21+$0x10] =	vst v0;
	s21 =	sadd.s32 $0x40, s21;
	s13 =	smov.u32 s5;
	s18 =	sadd.s32 $0x1, s5  }
0xda: {  	p1 =	sne.s32 s5, $0x7F;
	v0 =	vld.msk [tilespmem:s12+$0x0 ss:$0x0], $0xffff  }
0xdb: {  	v1 =	vld [tilespmem:s10+$0xFFFFFFE0];
	_ =	sdelay $0x4  }
0xdc: {  	v1 =	vmul.f32 v0, v1;
	_ =	sdelay $0x1  }
0xdd: {  	[tilespmem:s21+$0xFFFFFFE0] =	vst v1  }
0xde: {  	v1 =	vld [tilespmem:s10+$0xFFFFFFF0];
	_ =	sdelay $0x4  }
0xdf: {  	v1 =	vmul.f32 v1, v0;
	_ =	sdelay $0x1  }
0xe0: {  	[tilespmem:s21+$0xFFFFFFF0] =	vst v1  }
0xe1: {  	v1 =	vld [tilespmem:s10+$0x0];
	_ =	sdelay $0x4  }
0xe2: {  	v1 =	vmul.f32 v1, v0;
	_ =	sdelay $0x1  }
0xe3: {  	[tilespmem:s21+$0x0] =	vst v1  }
0xe4: {  	v1 =	vld [tilespmem:s10+$0x10];
	_ =	sdelay $0x1  }
.Ltmp2:
0xe5: {  	(pc) =	sbr.rel @p1 .LBB2_7-.Ltmp2, $3  }
0xe6: {  	_ =	sdelay $0x1  }
0xe7: {  	v0 =	vmul.f32 v1, v0  }
0xe8: {  	s20 =	sand.u32 $0x7F, s13;
	s5 =	smov.u32 s18;
	s10 =	sadd.s32 $0x50, s10  }
0xe9: {  	s5 =	sor.u32 $0x500, s20;
	[tilespmem:s21+$0x10] =	vst v0  }
0xea: {  	v0 =	vld.msk [tilespmem:s5+$0x0 ss:$0x0], $0xffff  }
0xeb: {  	v1 =	vld [tilespmem:s10+$0xFFFFFFE0];
	_ =	sdelay $0x4  }
0xec: {  	v1 =	vmul.f32 v0, v1  }
0xed: {  	s18 =	sadd.s32 $0x40, s21  }
0xee: {  	[tilespmem:s18+$0xFFFFFFE0] =	vst v1  }
0xef: {  	v1 =	vld [tilespmem:s10+$0xFFFFFFF0];
	_ =	sdelay $0x4  }
0xf0: {  	v1 =	vmul.f32 v1, v0;
	_ =	sdelay $0x1  }
0xf1: {  	[tilespmem:s18+$0xFFFFFFF0] =	vst v1  }
0xf2: {  	v1 =	vld [tilespmem:s10+$0x0];
	_ =	sdelay $0x4  }
0xf3: {  	v1 =	vmul.f32 v1, v0;
	_ =	sdelay $0x1  }
0xf4: {  	[tilespmem:s18+$0x0] =	vst v1  }
0xf5: {  	v1 =	vld [tilespmem:s10+$0x10];
	_ =	sdelay $0x4  }
0xf6: {  	v0 =	vmul.f32 v1, v0;
	_ =	sdelay $0x1  }
0xf7: {  	s5 =	simm.s32 @p0 $0x6;
	[tilespmem:s18+$0x10] =	vst v0  }
0xf8: {  	[spmem:s4] =	stream.indirect.scatter.add.f32 [tilespmem:s26], [sflag:$0x9], $0x40, s16, s23, $0xb8;
	[tilespmem:$0x1FB80] =	vst v63  }
0xf9: {  	_ =	swait.ge @p0 [sflag:s5], $0x2800  }
0xfa: {  	s12 =	simm.s32 @p0 $0x3000;
	[sflag:s5] =	ssyncset.done @p0 $0x0  }
0xfb: {  	s10 =	simm.s32 @p0 $0x680;
	[sflag:s5] =	ssyncadd.s32 @p0 $0xFFFFD800;
	s5 =	simm.s32 @p0 $0x80  }
0xfc: {  	[spmem:s3] =	stream.indirect.scatter.add.f32 @p0 [tilespmem:s12], [sflag:$0x8], $0x50, s10, s5, $0xb8;
	[tilespmem:$0x1FB80] =	vst v63  }
0xfd: {  	s5 =	simm.s32 @p0 $0xA  }
0xfe: {  	_ =	swait.ge @p0 [sflag:s5], $0x2000  }
0xff: {  	[sflag:s5] =	ssyncset.done @p0 $0x0  }
0x100: {  	[sflag:s5] =	ssyncadd.s32 @p0 $0xFFFFE000;
	s5 =	simm.s32 @!p0 $0x7  }
0x101: {  	_ =	swait.ge @!p0 [sflag:s5], $0x2800  }
0x102: {  	[sflag:s5] =	ssyncset.done @!p0 $0x0  }
0x103: {  	[sflag:s5] =	ssyncadd.s32 @!p0 $0xFFFFD800;
	s5 =	simm.s32 @!p0 $0x1  }
0x104: {  	_ =	swait.ge @!p0 [sflag:s5], $0x200  }
0x105: {  	s10 =	simm.s32 @!p0 $0x0;
	[sflag:s5] =	ssyncset.done @!p0 $0x0  }
0x106: {  	s12 =	simm.s32 @!p0 $0x800;
	[sflag:s5] =	ssyncadd.s32 @!p0 $0xFFFFFE00;
	s5 =	simm.s32 @!p0 $0x80  }
0x107: {  	[tilespmem:s12], [sflag:$0x5] =	stream.indirect.gather @!p0 [hbm4b:s6+s5], $0x50, s10, s5, $0xb8;
	[tilespmem:$0x1FB80] =	vst v63  }
0x108: {  	s12 =	simm.s32 @!p0 $0x6  }
0x109: {  	_ =	swait.ge @!p0 [sflag:s12], $0x2800  }
0x10a: {  	[sflag:s12] =	ssyncset.done @!p0 $0x0  }
0x10b: {  	s13 =	simm.s32 @!p0 $0x3000;
	[sflag:s12] =	ssyncadd.s32 @!p0 $0xFFFFD800;
	s12 =	simm.s32 @!p0 $0x680  }
0x10c: {  	[spmem:s3] =	stream.indirect.scatter.add.f32 @!p0 [tilespmem:s13], [sflag:$0x8], $0x50, s12, s5, $0xb8;
	[tilespmem:$0x1FB80] =	vst v63  }
0x10d: {  	s5 =	simm.s32 @!p0 $0xA  }
0x10e: {  	s12 =	sadd.s32 @!p0 s19, s15;
	_ =	swait.ge @!p0 [sflag:s5], $0x2000  }
0x10f: {  	s19 =	simm.s32 $0x0;
	s12 =	sshrl.u32 @!p0 s12, $0x3;
	[sflag:s5] =	ssyncset.done @!p0 $0x0  }
0x110: {  	[sflag:s5] =	ssyncadd.s32 @!p0 $0xFFFFE000;
	s5 =	sadd.s32 @!p0 s7, s12;
	s12 =	simm.s32 @!p0 $0x200  }
0x111: {  	[tilespmem:s12], [sflag:$0x2] =	stream.linear.gather @!p0 [hbm4b:s5+s10], $0x200, $0x38;
	[tilespmem:$0x1FB80] =	vst v63  }
0x112: {  	s20 =	simm.s32 $0x3020;
	s5 =	sand.u32 $0x7F, s19  }
0x113: {  	s5 =	sor.u32 $0x700, s5;
	v1 =	vld [tilespmem:s20+$0xFFFFFFE0]  }
0x114: {  	v0 =	vld.msk [tilespmem:s5+$0x0 ss:$0x0], $0xffff;
	_ =	sdelay $0x4  }
0x115: {  	v1 =	vmul.f32 v0, v1  }
0x116: {  	s19 =	simm.s32 $0x7820  }
0x117: {  	[tilespmem:s19+$0xFFFFFFE0] =	vst v1  }
0x118: {  	v1 =	vld [tilespmem:s20+$0xFFFFFFF0];
	_ =	sdelay $0x4  }
0x119: {  	v1 =	vmul.f32 v1, v0;
	_ =	sdelay $0x1  }
0x11a: {  	[tilespmem:s19+$0xFFFFFFF0] =	vst v1  }
0x11b: {  	v1 =	vld [tilespmem:s20+$0x0];
	_ =	sdelay $0x4  }
0x11c: {  	v1 =	vmul.f32 v1, v0;
	_ =	sdelay $0x1  }
0x11d: {  	[tilespmem:s19+$0x0] =	vst v1  }
0x11e: {  	v1 =	vld [tilespmem:s20+$0x10];
	_ =	sdelay $0x3  }
0x11f: {  	s21 =	simm.s32 $0x1  }
0x120: {  	s10 =	simm.s32 $0x3070;
	s5 =	simm.s32 $0x2;
	s20 =	sand.u32 $0x7F, s21;
	v0 =	vmul.f32 v1, v0  }
.LBB2_9:
0x121: {  	s12 =	sor.u32 $0x700, s20  }
0x122: {  	[tilespmem:s19+$0x10] =	vst v0;
	s19 =	sadd.s32 $0x40, s19;
	s13 =	smov.u32 s5;
	s18 =	sadd.s32 $0x1, s5  }
0x123: {  	p0 =	sne.s32 s5, $0x7F;
	v0 =	vld.msk [tilespmem:s12+$0x0 ss:$0x0], $0xffff  }
0x124: {  	v1 =	vld [tilespmem:s10+$0xFFFFFFE0];
	_ =	sdelay $0x4  }
0x125: {  	v1 =	vmul.f32 v0, v1;
	_ =	sdelay $0x1  }
0x126: {  	[tilespmem:s19+$0xFFFFFFE0] =	vst v1  }
0x127: {  	v1 =	vld [tilespmem:s10+$0xFFFFFFF0];
	_ =	sdelay $0x4  }
0x128: {  	v1 =	vmul.f32 v1, v0;
	_ =	sdelay $0x1  }
0x129: {  	[tilespmem:s19+$0xFFFFFFF0] =	vst v1  }
0x12a: {  	v1 =	vld [tilespmem:s10+$0x0];
	_ =	sdelay $0x4  }
0x12b: {  	v1 =	vmul.f32 v1, v0;
	_ =	sdelay $0x1  }
0x12c: {  	[tilespmem:s19+$0x0] =	vst v1  }
0x12d: {  	v1 =	vld [tilespmem:s10+$0x10];
	_ =	sdelay $0x1  }
.Ltmp3:
0x12e: {  	(pc) =	sbr.rel @p0 .LBB2_9-.Ltmp3, $3  }
0x12f: {  	_ =	sdelay $0x1  }
0x130: {  	v0 =	vmul.f32 v1, v0  }
0x131: {  	s20 =	sand.u32 $0x7F, s13;
	s5 =	smov.u32 s18;
	s10 =	sadd.s32 $0x50, s10  }
0x132: {  	s5 =	sor.u32 $0x700, s20;
	[tilespmem:s19+$0x10] =	vst v0  }
0x133: {  	v0 =	vld.msk [tilespmem:s5+$0x0 ss:$0x0], $0xffff  }
0x134: {  	v1 =	vld [tilespmem:s10+$0xFFFFFFE0];
	_ =	sdelay $0x4  }
0x135: {  	v1 =	vmul.f32 v0, v1  }
0x136: {  	s20 =	sadd.s32 $0x40, s19  }
0x137: {  	[tilespmem:s20+$0xFFFFFFE0] =	vst v1  }
0x138: {  	v1 =	vld [tilespmem:s10+$0xFFFFFFF0];
	_ =	sdelay $0x4  }
0x139: {  	v1 =	vmul.f32 v1, v0;
	_ =	sdelay $0x1  }
0x13a: {  	[tilespmem:s20+$0xFFFFFFF0] =	vst v1  }
0x13b: {  	v1 =	vld [tilespmem:s10+$0x0];
	_ =	sdelay $0x4  }
0x13c: {  	v1 =	vmul.f32 v1, v0;
	_ =	sdelay $0x1  }
0x13d: {  	[tilespmem:s20+$0x0] =	vst v1  }
0x13e: {  	v1 =	vld [tilespmem:s10+$0x10];
	_ =	sdelay $0x1  }
0x13f: {  	s9 =	sadd.s32 $0x1, s9  }
0x140: {  	p0 =	sne.s32 s9, $0x28  }
.Ltmp4:
0x141: {  	_ = 	snop;
	(pc) =	sbr.rel @p0 .LBB2_2-.Ltmp4, $3  }
0x142: {  	v0 =	vmul.f32 v1, v0;
	_ =	sdelay $0x1  }
0x143: {  	s21 =	simm.s32 $0x680;
	[tilespmem:s20+$0x10] =	vst v0  }
0x144: {  	[spmem:s4] =	stream.indirect.scatter.add.f32 [tilespmem:s2], [sflag:$0xA], $0x40, s21, s23, $0xb8;
	[tilespmem:$0x1FB80] =	vst v63  }
0x145: {  	_ =	swait.ge [sflag:s28], $0x2800  }
0x146: {  	[sflag:s28] =	ssyncset.done $0x0  }
0x147: {  	[sflag:s28] =	ssyncadd.s32 $0xFFFFD800  }
0x148: {  	_ =	swait.ge [sflag:s22], $0x2800  }
0x149: {  	[sflag:s22] =	ssyncset.done $0x0  }
0x14a: {  	[sflag:s22] =	ssyncadd.s32 $0xFFFFD800  }
0x14b: {  	_ =	swait.ge [sflag:s17], $0x2000  }
0x14c: {  	[sflag:s17] =	ssyncset.done $0x0  }
0x14d: {  	s5 =	simm.s32 $0xA;
	[sflag:s17] =	ssyncadd.s32 $0xFFFFE000  }
0x14e: {  	_ =	swait.ge [sflag:s5], $0x2000  }
0x14f: {  	[sflag:s5] =	ssyncset.done $0x0  }
0x150: {  	[sflag:s5] =	ssyncadd.s32 $0xFFFFE000  }
0x151: {  	[bflag:$0x0] =	sbarrier.arrive $0xFFFF  }
0x152: {  	s10 =	rddreg [dreg:$0x7]  }
0x153: {  	s19 =	rddreg [dreg:$0xb]  }
0x154: {  	s12 =	simm.s32 $0xB;
	s9 =	rddreg [dreg:$0xe]  }
0x155: {  	[hbm:s19], [sflag:s10] =	dma.local [spmem:s9], $0x18B0  }
0x156: {  	_ =	swait.ge [sflag:s12], $0x18B0  }
0x157: {  	[sflag:s12] =	ssyncset.done $0x0;
	s20 =	rddreg [dreg:$0xc]  }
0x158: {  	s13 =	rddreg [dreg:$0xf];
	[sflag:s12] =	ssyncadd.s32 $0xFFFFE750  }
0x159: {  	[hbm:s20], [sflag:s10] =	dma.local [spmem:s13], $0x13C0  }
0x15a: {  	_ =	swait.ge [sflag:s12], $0x13C0  }
0x15b: {  	s18 =	rddreg [dreg:$0x10]  }
0x15c: {  	s21 =	rddreg [dreg:$0xd];
	s18 =	sadd.s32 $0x1, s18  }
0x15d: {  	p0 =	sne.s32 s18, s21  }
.Ltmp5:
0x15e: {  	_ = 	snop;
	(pc) =	sbr.rel @p0 .LBB2_1-.Ltmp5, $3  }
0x15f: {  	_ =	sdelay $0x1  }
0x160: {  	[sflag:s12] =	ssyncset.done $0x0  }
0x161: {  	[sflag:s12] =	ssyncadd.s32 $0xFFFFEC40  }
0x162: {  	_ =	sfence.sel $0x180000  }
0x163: {  	[bflag:$0x0] =	sbarrier.arrive $0xFFFF  }
0x164: {  	_ =	strace $0x90000047  }
0x165: {  	s0 =	stileid.u32;
	[bflag:$0x2] =	sbarrier.arrive $0xFFFF  }
0x166: {  	p0 =	sne.s32 s0, $0x0;
	s0 =	rddreg [dreg:$0x4]  }
0x167: {  	s0 =	sadd.s32 @!p0 $0x100000, s0  }
0x168: {  	[sflag:s0] =	ssyncadd.tile.s32 @!p0 $0x1;
	_ =	shalt  }
.Lfunc_end2:
_tile_overlayer_lowered:
.L_overlay_start_2:
0x169: {  	(tag) =	ssettag $0x2  }
0x16a: {  	s0 =	rddreg [dreg:$0x0];
	s2 =	stileid.u32  }
0x16b: {  	s1 =	rddreg [dreg:$0x1];
	p0 =	sne.s32 s2, $0x0  }
0x16c: {  	s3 =	rddreg [dreg:$0x2];
	[bflag:$0x3] =	sbarrier.arrive $0xFFFF;
	s2 =	simm.s32 @!p0 $0x1C0B  }
0x16d: {  	[timem:s3], [sflag:s2] =	dma.local @!p0 [hbm:s0], s1  }
0x16e: {  	s0 =	simm.s32 @!p0 $0xB  }
0x16f: {  	_ =	swait.ge @!p0 [sflag:s0], s1  }
0x170: {  	s1 =	ssub.s32 @!p0 $0x0, s1;
	[sflag:s0] =	ssyncset.done @!p0 $0x0  }
0x171: {  	[sflag:s0] =	ssyncadd.s32 @!p0 s1  }
0x172: {  	[bflag:$0x3] =	sbarrier.arrive $0xFFFF  }
0x173: {  	_ =	shalt  }

</sc_bundles>
